<compile_context>
chip_gen: v7x
topology: tpu7x:2x2x1
jax: 0.10.2.dev20260603
libtpu: 0.0.44.dev20260713+nightly
codegen_flags: <defaults>
</compile_context>

<pallas_src>
import functools

import jax
import jax.numpy as jnp
from jax import lax
from jax.experimental import pallas as pl
from jax.experimental.pallas import tpu as pltpu
from jax.experimental.pallas import tpu_sc as plsc

_NF_PAD = 1024


def _table_body(rot_ref, trans_ref, out_ref):
    nf = rot_ref.shape[1]
    pad = jnp.zeros((1, _NF_PAD - nf), jnp.float32)
    wx = jnp.concatenate([rot_ref[0:1, :], pad], axis=1)
    wy = jnp.concatenate([rot_ref[1:2, :], pad], axis=1)
    wz = jnp.concatenate([rot_ref[2:3, :], pad], axis=1)
    t0 = jnp.concatenate([trans_ref[0:1, :], pad], axis=1)
    t1 = jnp.concatenate([trans_ref[1:2, :], pad], axis=1)
    t2_ = jnp.concatenate([trans_ref[2:3, :], pad], axis=1)
    t2 = wx * wx + wy * wy + wz * wz
    theta = jnp.sqrt(jnp.maximum(t2, 1e-24))
    small = t2 < 1e-8
    a = jnp.where(small, 1.0 - t2 / 6.0, jnp.sin(theta) / theta)
    b = jnp.where(small, 0.5 - t2 / 24.0,
                  (1.0 - jnp.cos(theta)) / jnp.maximum(t2, 1e-24))
    axy = b * wx * wy
    axz = b * wx * wz
    ayz = b * wy * wz
    r00 = 1.0 - b * (wy * wy + wz * wz)
    r11 = 1.0 - b * (wx * wx + wz * wz)
    r22 = 1.0 - b * (wx * wx + wy * wy)
    r01 = axy - a * wz
    r10 = axy + a * wz
    r02 = axz + a * wy
    r20 = axz - a * wy
    r12 = ayz - a * wx
    r21 = ayz + a * wx
    out_ref[...] = jnp.concatenate(
        [r00, r01, r02, r10, r11, r12, r20, r21, r22, t0, t1, t2_], axis=0)


def _make_table(rot_t, trans_t):
    return pl.pallas_call(
        _table_body,
        out_shape=jax.ShapeDtypeStruct((12, _NF_PAD), jnp.float32),
    )(rot_t, trans_t)


def _sc_apply(table_flat, idx, mask_t, rays_t, n_rays):
    info = plsc.get_sparse_core_info()
    nc, ns = info.num_cores, info.num_subcores
    nw = nc * ns
    ch = n_rays // nw
    half = ch // 2
    id_col = _NF_PAD - 8
    mesh = plsc.VectorSubcoreMesh(core_axis_name="c", subcore_axis_name="s")

    @functools.partial(
        pl.kernel,
        out_type=jax.ShapeDtypeStruct((8, n_rays), jnp.float32),
        mesh=mesh,
        scratch_types=[
            pltpu.VMEM_SHARED((12 * _NF_PAD,), jnp.float32),
            pltpu.VMEM((12 * _NF_PAD,), jnp.float32),
            pltpu.VMEM((ch,), jnp.int32),
            pltpu.VMEM((1, ch), jnp.int32),
            pltpu.VMEM((8, ch), jnp.float32),
            pltpu.VMEM((8, ch), jnp.float32),
            pltpu.SemaphoreType.DMA,
            pltpu.SemaphoreType.DMA,
            pltpu.SemaphoreType.DMA,
            pltpu.SemaphoreType.DMA,
            pltpu.SemaphoreType.DMA,
            pltpu.SemaphoreType.DMA,
        ],
        compiler_params=pltpu.CompilerParams(needs_layout_passes=False),
    )
    def body(tab_hbm, idx_hbm, mask_hbm, rays_hbm, out_hbm,
             tab_sh, tab_v, idx_v, mask_v, rays_v, out_v,
             sem_tab, sem_q0, sem_q1, sem_q2, sem_q3, sem_out):
        wid = lax.axis_index("s") * nc + lax.axis_index("c")
        base = wid * ch
        qs = ch // 4
        sem_q = [sem_q0, sem_q1, sem_q2, sem_q3]

        @pl.when(lax.axis_index("s") == 0)
        def _stage_table():
            pltpu.sync_copy(tab_hbm, tab_sh)

        h_in = []
        for q in range(4):
            o = q * qs
            h_in.append([
                pltpu.async_copy(idx_hbm.at[pl.ds(base + o, qs)],
                                 idx_v.at[pl.ds(o, qs)], sem_q[q]),
                pltpu.async_copy(mask_hbm.at[:, pl.ds(base + o, qs)],
                                 mask_v.at[:, pl.ds(o, qs)], sem_q[q]),
                pltpu.async_copy(rays_hbm.at[:, pl.ds(base + o, qs)],
                                 rays_v.at[:, pl.ds(o, qs)], sem_q[q]),
            ])
        plsc.subcore_barrier()
        pltpu.async_copy(tab_sh, tab_v, sem_tab).wait()

        def step(s):
            fidx = idx_v[pl.ds(s, 16)]
            m = mask_v[0, pl.ds(s, 16)]
            fidx = jnp.where(m == 1, fidx, id_col)
            ray = [rays_v[c, pl.ds(s, 16)] for c in range(8)]
            g = [plsc.load_gather(tab_v, [fidx + (c * _NF_PAD)])
                 for c in range(12)]
            d0, d1, d2 = ray[3], ray[4], ray[5]
            outs = [
                ray[0] + g[9],
                ray[1] + g[10],
                ray[2] + g[11],
                g[0] * d0 + g[1] * d1 + g[2] * d2,
                g[3] * d0 + g[4] * d1 + g[5] * d2,
                g[6] * d0 + g[7] * d1 + g[8] * d2,
                ray[6],
                ray[7],
            ]
            for c in range(8):
                out_v[c, pl.ds(s, 16)] = outs[c]

        h_out = []
        for q in range(4):
            o = q * qs
            for h in h_in[q]:
                h.wait()
            plsc.parallel_loop(o, o + qs, 16, unroll=1)(step)
            if q == 0:
                @pl.when(wid == 0)
                def _fix_head():
                    iota = lax.iota(jnp.int32, 16)
                    keep = iota >= 6
                    fz = jnp.zeros((16,), jnp.float32)
                    for c in (6, 7):
                        out_v[c, pl.ds(0, 16)] = jnp.where(
                            keep, out_v[c, pl.ds(0, 16)], fz)
            if q < 3:
                h_out.append(pltpu.async_copy(
                    out_v.at[:, pl.ds(o, qs)],
                    out_hbm.at[:, pl.ds(base + o, qs)], sem_out))
        pltpu.sync_copy(out_v.at[:, pl.ds(3 * qs, qs)],
                        out_hbm.at[:, pl.ds(base + 3 * qs, qs)])
        for h in h_out:
            h.wait()

    return body(table_flat, idx, mask_t, rays_t)


def kernel(image_indices, rays, depth_mask, rot_dict, trans_dict):
    n = rays.shape[0]
    idx = image_indices.astype(jnp.int32)
    table = _make_table(rot_dict.astype(jnp.float32).T,
                        trans_dict.astype(jnp.float32).T)
    out_t = _sc_apply(table.reshape(12 * _NF_PAD), idx,
                      depth_mask.astype(jnp.int32).T,
                      rays.astype(jnp.float32).T, n)
    return out_t.T

# --- scband reference (transcript-rebuilt; emitter-appended) ---
"""Pipeline reference for scband-pose-correction-39754217292365 (READ-ONLY COPY).

The authoritative reference and input builder live on the scoring server;
editing this copy changes nothing except your own understanding.
"""

import jax, jax.numpy as jnp
import numpy as np


def _so3_exp_matrix(omega):
    # Rodrigues formula: omega [N,3] -> R [N,3,3], mirrors pp.Exp(pp.so3(omega)).matrix()
    theta2 = jnp.sum(omega * omega, axis=-1)[:, None, None]  # [N,1,1]
    theta = jnp.sqrt(jnp.maximum(theta2, 1e-24))
    wx, wy, wz = omega[:, 0], omega[:, 1], omega[:, 2]
    zeros = jnp.zeros_like(wx)
    K = jnp.stack([
        jnp.stack([zeros, -wz, wy], axis=-1),
        jnp.stack([wz, zeros, -wx], axis=-1),
        jnp.stack([-wy, wx, zeros], axis=-1),
    ], axis=-2)  # [N,3,3]
    K2 = K @ K
    small = theta2 < 1e-8
    A = jnp.where(small, 1.0 - theta2 / 6.0, jnp.sin(theta) / theta)
    B = jnp.where(small, 0.5 - theta2 / 24.0, (1.0 - jnp.cos(theta)) / jnp.maximum(theta2, 1e-24))
    I = jnp.eye(3, dtype=omega.dtype)[None]
    return I + A * K + B * K2


def setup_inputs(seed: int = 0) -> dict:
    key = jax.random.key(seed)
    k1, k2, k3, k4, k5 = jax.random.split(key, 5)
    n_frames = 1000
    N = 65536
    image_indices = jax.random.randint(k1, (N,), 0, n_frames, dtype=jnp.int64)
    rays = jax.random.normal(k2, (N, 8), dtype=jnp.float32)
    depth_mask = jax.random.randint(k3, (N, 1), 0, 2, dtype=jnp.int32)
    # learned parameters (torch inits rot as identity-so3 (zeros) and trans as zeros;
    # we use small random values for a numerically non-trivial reference)
    rot_dict = jax.random.normal(k4, (n_frames, 3), dtype=jnp.float32) * 0.1
    trans_dict = jax.random.normal(k5, (n_frames, 3), dtype=jnp.float32) * 0.1
    return {"image_indices": image_indices, "rays": rays, "depth_mask": depth_mask,
            "rot_dict": rot_dict, "trans_dict": trans_dict}


def reference(image_indices, rays, depth_mask, rot_dict, trans_dict):
    N = rays.shape[0]
    mask = depth_mask == 1  # [N,1]
    gathered_rot = jnp.take(rot_dict, image_indices, axis=0)      # [N,3]
    gathered_trans = jnp.take(trans_dict, image_indices, axis=0)  # [N,3]
    identity_rot = jnp.zeros((N, 3), dtype=rays.dtype)            # identity so3 tensor
    zero_trans = jnp.zeros((N, 3), dtype=rays.dtype)
    rot = jnp.where(mask, gathered_rot, identity_rot)
    trans = jnp.where(mask, gathered_trans, zero_trans)
    R = _so3_exp_matrix(rot)  # [N,3,3]
    ret = jnp.zeros_like(rays)
    ret = ret.at[6:].set(rays[6:])
    ret = ret.at[:, :3].set(rays[:, :3] + trans)
    dirs = (R @ rays[:, 3:6, None])[..., 0]
    ret = ret.at[:, 3:6].set(dirs)
    return ret

if __name__ == "__main__":
    import jax
    _d = setup_inputs()
    print(jax.jit(kernel)(*tuple(_d.values())))

</pallas_src>

<mosaic_0001>
#map = affine_map<(d0, d1) -> (0)>
#map1 = affine_map<(d0, d1) -> (0, 0)>
module attributes {stable_mosaic.version = 14 : i64} {
  func.func @body(%arg0: i32, %arg1: i32, %arg2: memref<12288xf32, #tpu.memory_space<hbm>>, %arg3: memref<65536xi32, #tpu.memory_space<hbm>>, %arg4: memref<1x65536xi32, #tpu.memory_space<hbm>>, %arg5: memref<8x65536xf32, #tpu.memory_space<hbm>>, %arg6: memref<8x65536xf32, #tpu.memory_space<hbm>>, %arg7: memref<12288xf32, #tpu.memory_space<vmem_shared>>, %arg8: memref<12288xf32, #tpu.memory_space<vmem>>, %arg9: memref<2048xi32, #tpu.memory_space<vmem>>, %arg10: memref<1x2048xi32, #tpu.memory_space<vmem>>, %arg11: memref<8x2048xf32, #tpu.memory_space<vmem>>, %arg12: memref<8x2048xf32, #tpu.memory_space<vmem>>, %arg13: memref<!tpu.dma_semaphore, #tpu.memory_space<semaphore_mem>>, %arg14: memref<!tpu.dma_semaphore, #tpu.memory_space<semaphore_mem>>, %arg15: memref<!tpu.dma_semaphore, #tpu.memory_space<semaphore_mem>>, %arg16: memref<!tpu.dma_semaphore, #tpu.memory_space<semaphore_mem>>, %arg17: memref<!tpu.dma_semaphore, #tpu.memory_space<semaphore_mem>>, %arg18: memref<!tpu.dma_semaphore, #tpu.memory_space<semaphore_mem>>) attributes {dimension_semantics = [#tpu.dimension_semantics<core_parallel>, #tpu.dimension_semantics<subcore_parallel>], iteration_bounds = array<i64: 2, 16>, scalar_prefetch = 0 : i64, scratch_operands = 12 : i64, tpu.core_type = #tpu.core_type<sc_vector_subcore>, window_params = [{transform_indices = #map}, {transform_indices = #map}, {transform_indices = #map1}, {transform_indices = #map1}, {transform_indices = #map1}]} {
    %mul3A = arith.constant 2 : i32
    %mul3A_0 = arith.muli %arg1, %mul3A : i32
    %add3A = arith.addi %mul3A_0, %arg0 : i32
    %mul3A_1 = arith.constant 2048 : i32
    %mul3A_2 = arith.muli %add3A, %mul3A_1 : i32
    %eq3A = arith.constant 0 : i32
    %eq3A_3 = arith.cmpi eq, %arg1, %eq3A : i32
    %convert_element_type3A = arith.extui %eq3A_3 : i1 to i32
    %cond3A = arith.constant 0 : i32
    %cond3A_4 = arith.cmpi ne, %convert_element_type3A, %cond3A : i32
    scf.if %cond3A_4 {
      "tpu.region"() ({
        %run_scoped3A = tpu.sem_alloc : memref<!tpu.dma_semaphore, #tpu.memory_space<semaphore_mem>>
        tpu.enqueue_dma source(%arg2 : memref<12288xf32, #tpu.memory_space<hbm>>) target(%arg7 : memref<12288xf32, #tpu.memory_space<vmem_shared>>) target_semaphore(%run_scoped3A : memref<!tpu.dma_semaphore, #tpu.memory_space<semaphore_mem>>)
        tpu.wait_dma2 semaphore(%run_scoped3A : memref<!tpu.dma_semaphore, #tpu.memory_space<semaphore_mem>>) src(%arg2 : memref<12288xf32, #tpu.memory_space<hbm>>) dst(%arg7 : memref<12288xf32, #tpu.memory_space<vmem_shared>>)
        tpu.yield
      }) : () -> ()
    } else {
    }
    %add3A_5 = arith.constant 0 : i32
    %add3A_6 = arith.addi %mul3A_2, %add3A_5 : i32
    %dma_start3A = arith.constant 0 : i32
    %dma_start3A_7 = tpu.memref_slice %arg9[%dma_start3A] : memref<2048xi32, #tpu.memory_space<vmem>> -> memref<512xi32, #tpu.memory_space<vmem>>
    %dma_start3A_8 = tpu.memref_slice %arg3[%add3A_6] : memref<65536xi32, #tpu.memory_space<hbm>> -> memref<512xi32, #tpu.memory_space<hbm>>
    %dma_start3A_9 = arith.constant 0 : i32
    %dma_start3A_10 = tpu.memref_slice %arg9[%dma_start3A_9] : memref<2048xi32, #tpu.memory_space<vmem>> -> memref<512xi32, #tpu.memory_space<vmem>>
    %dma_start3A_11 = tpu.memref_slice %arg3[%add3A_6] : memref<65536xi32, #tpu.memory_space<hbm>> -> memref<512xi32, #tpu.memory_space<hbm>>
    tpu.enqueue_dma source(%dma_start3A_11 : memref<512xi32, #tpu.memory_space<hbm>>) target(%dma_start3A_10 : memref<512xi32, #tpu.memory_space<vmem>>) target_semaphore(%arg14 : memref<!tpu.dma_semaphore, #tpu.memory_space<semaphore_mem>>)
    %add3A_12 = arith.constant 0 : i32
    %add3A_13 = arith.addi %mul3A_2, %add3A_12 : i32
    %dma_start3A_14 = arith.constant 0 : i32
    %dma_start3A_15 = arith.constant 0 : i32
    %dma_start3A_16 = tpu.memref_slice %arg10[%dma_start3A_14, %dma_start3A_15] : memref<1x2048xi32, #tpu.memory_space<vmem>> -> memref<1x512xi32, #tpu.memory_space<vmem>>
    %dma_start3A_17 = arith.constant 0 : i32
    %dma_start3A_18 = tpu.memref_slice %arg4[%dma_start3A_17, %add3A_13] : memref<1x65536xi32, #tpu.memory_space<hbm>> -> memref<1x512xi32, #tpu.memory_space<hbm>>
    %dma_start3A_19 = arith.constant 0 : i32
    %dma_start3A_20 = arith.constant 0 : i32
    %dma_start3A_21 = tpu.memref_slice %arg10[%dma_start3A_19, %dma_start3A_20] : memref<1x2048xi32, #tpu.memory_space<vmem>> -> memref<1x512xi32, #tpu.memory_space<vmem>>
    %dma_start3A_22 = arith.constant 0 : i32
    %dma_start3A_23 = tpu.memref_slice %arg4[%dma_start3A_22, %add3A_13] : memref<1x65536xi32, #tpu.memory_space<hbm>> -> memref<1x512xi32, #tpu.memory_space<hbm>>
    tpu.enqueue_dma source(%dma_start3A_23 : memref<1x512xi32, #tpu.memory_space<hbm>>) target(%dma_start3A_21 : memref<1x512xi32, #tpu.memory_space<vmem>>) target_semaphore(%arg14 : memref<!tpu.dma_semaphore, #tpu.memory_space<semaphore_mem>>)
    %add3A_24 = arith.constant 0 : i32
    %add3A_25 = arith.addi %mul3A_2, %add3A_24 : i32
    %dma_start3A_26 = arith.constant 0 : i32
    %dma_start3A_27 = arith.constant 0 : i32
    %dma_start3A_28 = tpu.memref_slice %arg11[%dma_start3A_26, %dma_start3A_27] : memref<8x2048xf32, #tpu.memory_space<vmem>> -> memref<8x512xf32, #tpu.memory_space<vmem>>
    %dma_start3A_29 = arith.constant 0 : i32
    %dma_start3A_30 = tpu.memref_slice %arg5[%dma_start3A_29, %add3A_25] : memref<8x65536xf32, #tpu.memory_space<hbm>> -> memref<8x512xf32, #tpu.memory_space<hbm>>
    %dma_start3A_31 = arith.constant 0 : i32
    %dma_start3A_32 = arith.constant 0 : i32
    %dma_start3A_33 = tpu.memref_slice %arg11[%dma_start3A_31, %dma_start3A_32] : memref<8x2048xf32, #tpu.memory_space<vmem>> -> memref<8x512xf32, #tpu.memory_space<vmem>>
    %dma_start3A_34 = arith.constant 0 : i32
    %dma_start3A_35 = tpu.memref_slice %arg5[%dma_start3A_34, %add3A_25] : memref<8x65536xf32, #tpu.memory_space<hbm>> -> memref<8x512xf32, #tpu.memory_space<hbm>>
    tpu.enqueue_dma source(%dma_start3A_35 : memref<8x512xf32, #tpu.memory_space<hbm>>) target(%dma_start3A_33 : memref<8x512xf32, #tpu.memory_space<vmem>>) target_semaphore(%arg14 : memref<!tpu.dma_semaphore, #tpu.memory_space<semaphore_mem>>)
    %add3A_36 = arith.constant 512 : i32
    %add3A_37 = arith.addi %mul3A_2, %add3A_36 : i32
    %dma_start3A_38 = arith.constant 512 : i32
    %dma_start3A_39 = tpu.memref_slice %arg9[%dma_start3A_38] : memref<2048xi32, #tpu.memory_space<vmem>> -> memref<512xi32, #tpu.memory_space<vmem>>
    %dma_start3A_40 = tpu.memref_slice %arg3[%add3A_37] : memref<65536xi32, #tpu.memory_space<hbm>> -> memref<512xi32, #tpu.memory_space<hbm>>
    %dma_start3A_41 = arith.constant 512 : i32
    %dma_start3A_42 = tpu.memref_slice %arg9[%dma_start3A_41] : memref<2048xi32, #tpu.memory_space<vmem>> -> memref<512xi32, #tpu.memory_space<vmem>>
    %dma_start3A_43 = tpu.memref_slice %arg3[%add3A_37] : memref<65536xi32, #tpu.memory_space<hbm>> -> memref<512xi32, #tpu.memory_space<hbm>>
    tpu.enqueue_dma source(%dma_start3A_43 : memref<512xi32, #tpu.memory_space<hbm>>) target(%dma_start3A_42 : memref<512xi32, #tpu.memory_space<vmem>>) target_semaphore(%arg15 : memref<!tpu.dma_semaphore, #tpu.memory_space<semaphore_mem>>)
    %add3A_44 = arith.constant 512 : i32
    %add3A_45 = arith.addi %mul3A_2, %add3A_44 : i32
    %dma_start3A_46 = arith.constant 0 : i32
    %dma_start3A_47 = arith.constant 512 : i32
    %dma_start3A_48 = tpu.memref_slice %arg10[%dma_start3A_46, %dma_start3A_47] : memref<1x2048xi32, #tpu.memory_space<vmem>> -> memref<1x512xi32, #tpu.memory_space<vmem>>
    %dma_start3A_49 = arith.constant 0 : i32
    %dma_start3A_50 = tpu.memref_slice %arg4[%dma_start3A_49, %add3A_45] : memref<1x65536xi32, #tpu.memory_space<hbm>> -> memref<1x512xi32, #tpu.memory_space<hbm>>
    %dma_start3A_51 = arith.constant 0 : i32
    %dma_start3A_52 = arith.constant 512 : i32
    %dma_start3A_53 = tpu.memref_slice %arg10[%dma_start3A_51, %dma_start3A_52] : memref<1x2048xi32, #tpu.memory_space<vmem>> -> memref<1x512xi32, #tpu.memory_space<vmem>>
    %dma_start3A_54 = arith.constant 0 : i32
    %dma_start3A_55 = tpu.memref_slice %arg4[%dma_start3A_54, %add3A_45] : memref<1x65536xi32, #tpu.memory_space<hbm>> -> memref<1x512xi32, #tpu.memory_space<hbm>>
    tpu.enqueue_dma source(%dma_start3A_55 : memref<1x512xi32, #tpu.memory_space<hbm>>) target(%dma_start3A_53 : memref<1x512xi32, #tpu.memory_space<vmem>>) target_semaphore(%arg15 : memref<!tpu.dma_semaphore, #tpu.memory_space<semaphore_mem>>)
    %add3A_56 = arith.constant 512 : i32
    %add3A_57 = arith.addi %mul3A_2, %add3A_56 : i32
    %dma_start3A_58 = arith.constant 0 : i32
    %dma_start3A_59 = arith.constant 512 : i32
    %dma_start3A_60 = tpu.memref_slice %arg11[%dma_start3A_58, %dma_start3A_59] : memref<8x2048xf32, #tpu.memory_space<vmem>> -> memref<8x512xf32, #tpu.memory_space<vmem>>
    %dma_start3A_61 = arith.constant 0 : i32
    %dma_start3A_62 = tpu.memref_slice %arg5[%dma_start3A_61, %add3A_57] : memref<8x65536xf32, #tpu.memory_space<hbm>> -> memref<8x512xf32, #tpu.memory_space<hbm>>
    %dma_start3A_63 = arith.constant 0 : i32
    %dma_start3A_64 = arith.constant 512 : i32
    %dma_start3A_65 = tpu.memref_slice %arg11[%dma_start3A_63, %dma_start3A_64] : memref<8x2048xf32, #tpu.memory_space<vmem>> -> memref<8x512xf32, #tpu.memory_space<vmem>>
    %dma_start3A_66 = arith.constant 0 : i32
    %dma_start3A_67 = tpu.memref_slice %arg5[%dma_start3A_66, %add3A_57] : memref<8x65536xf32, #tpu.memory_space<hbm>> -> memref<8x512xf32, #tpu.memory_space<hbm>>
    tpu.enqueue_dma source(%dma_start3A_67 : memref<8x512xf32, #tpu.memory_space<hbm>>) target(%dma_start3A_65 : memref<8x512xf32, #tpu.memory_space<vmem>>) target_semaphore(%arg15 : memref<!tpu.dma_semaphore, #tpu.memory_space<semaphore_mem>>)
    %add3A_68 = arith.constant 1024 : i32
    %add3A_69 = arith.addi %mul3A_2, %add3A_68 : i32
    %dma_start3A_70 = arith.constant 1024 : i32
    %dma_start3A_71 = tpu.memref_slice %arg9[%dma_start3A_70] : memref<2048xi32, #tpu.memory_space<vmem>> -> memref<512xi32, #tpu.memory_space<vmem>>
    %dma_start3A_72 = tpu.memref_slice %arg3[%add3A_69] : memref<65536xi32, #tpu.memory_space<hbm>> -> memref<512xi32, #tpu.memory_space<hbm>>
    %dma_start3A_73 = arith.constant 1024 : i32
    %dma_start3A_74 = tpu.memref_slice %arg9[%dma_start3A_73] : memref<2048xi32, #tpu.memory_space<vmem>> -> memref<512xi32, #tpu.memory_space<vmem>>
    %dma_start3A_75 = tpu.memref_slice %arg3[%add3A_69] : memref<65536xi32, #tpu.memory_space<hbm>> -> memref<512xi32, #tpu.memory_space<hbm>>
    tpu.enqueue_dma source(%dma_start3A_75 : memref<512xi32, #tpu.memory_space<hbm>>) target(%dma_start3A_74 : memref<512xi32, #tpu.memory_space<vmem>>) target_semaphore(%arg16 : memref<!tpu.dma_semaphore, #tpu.memory_space<semaphore_mem>>)
    %add3A_76 = arith.constant 1024 : i32
    %add3A_77 = arith.addi %mul3A_2, %add3A_76 : i32
    %dma_start3A_78 = arith.constant 0 : i32
    %dma_start3A_79 = arith.constant 1024 : i32
    %dma_start3A_80 = tpu.memref_slice %arg10[%dma_start3A_78, %dma_start3A_79] : memref<1x2048xi32, #tpu.memory_space<vmem>> -> memref<1x512xi32, #tpu.memory_space<vmem>>
    %dma_start3A_81 = arith.constant 0 : i32
    %dma_start3A_82 = tpu.memref_slice %arg4[%dma_start3A_81, %add3A_77] : memref<1x65536xi32, #tpu.memory_space<hbm>> -> memref<1x512xi32, #tpu.memory_space<hbm>>
    %dma_start3A_83 = arith.constant 0 : i32
    %dma_start3A_84 = arith.constant 1024 : i32
    %dma_start3A_85 = tpu.memref_slice %arg10[%dma_start3A_83, %dma_start3A_84] : memref<1x2048xi32, #tpu.memory_space<vmem>> -> memref<1x512xi32, #tpu.memory_space<vmem>>
    %dma_start3A_86 = arith.constant 0 : i32
    %dma_start3A_87 = tpu.memref_slice %arg4[%dma_start3A_86, %add3A_77] : memref<1x65536xi32, #tpu.memory_space<hbm>> -> memref<1x512xi32, #tpu.memory_space<hbm>>
    tpu.enqueue_dma source(%dma_start3A_87 : memref<1x512xi32, #tpu.memory_space<hbm>>) target(%dma_start3A_85 : memref<1x512xi32, #tpu.memory_space<vmem>>) target_semaphore(%arg16 : memref<!tpu.dma_semaphore, #tpu.memory_space<semaphore_mem>>)
    %add3A_88 = arith.constant 1024 : i32
    %add3A_89 = arith.addi %mul3A_2, %add3A_88 : i32
    %dma_start3A_90 = arith.constant 0 : i32
    %dma_start3A_91 = arith.constant 1024 : i32
    %dma_start3A_92 = tpu.memref_slice %arg11[%dma_start3A_90, %dma_start3A_91] : memref<8x2048xf32, #tpu.memory_space<vmem>> -> memref<8x512xf32, #tpu.memory_space<vmem>>
    %dma_start3A_93 = arith.constant 0 : i32
    %dma_start3A_94 = tpu.memref_slice %arg5[%dma_start3A_93, %add3A_89] : memref<8x65536xf32, #tpu.memory_space<hbm>> -> memref<8x512xf32, #tpu.memory_space<hbm>>
    %dma_start3A_95 = arith.constant 0 : i32
    %dma_start3A_96 = arith.constant 1024 : i32
    %dma_start3A_97 = tpu.memref_slice %arg11[%dma_start3A_95, %dma_start3A_96] : memref<8x2048xf32, #tpu.memory_space<vmem>> -> memref<8x512xf32, #tpu.memory_space<vmem>>
    %dma_start3A_98 = arith.constant 0 : i32
    %dma_start3A_99 = tpu.memref_slice %arg5[%dma_start3A_98, %add3A_89] : memref<8x65536xf32, #tpu.memory_space<hbm>> -> memref<8x512xf32, #tpu.memory_space<hbm>>
    tpu.enqueue_dma source(%dma_start3A_99 : memref<8x512xf32, #tpu.memory_space<hbm>>) target(%dma_start3A_97 : memref<8x512xf32, #tpu.memory_space<vmem>>) target_semaphore(%arg16 : memref<!tpu.dma_semaphore, #tpu.memory_space<semaphore_mem>>)
    %add3A_100 = arith.constant 1536 : i32
    %add3A_101 = arith.addi %mul3A_2, %add3A_100 : i32
    %dma_start3A_102 = arith.constant 1536 : i32
    %dma_start3A_103 = tpu.memref_slice %arg9[%dma_start3A_102] : memref<2048xi32, #tpu.memory_space<vmem>> -> memref<512xi32, #tpu.memory_space<vmem>>
    %dma_start3A_104 = tpu.memref_slice %arg3[%add3A_101] : memref<65536xi32, #tpu.memory_space<hbm>> -> memref<512xi32, #tpu.memory_space<hbm>>
    %dma_start3A_105 = arith.constant 1536 : i32
    %dma_start3A_106 = tpu.memref_slice %arg9[%dma_start3A_105] : memref<2048xi32, #tpu.memory_space<vmem>> -> memref<512xi32, #tpu.memory_space<vmem>>
    %dma_start3A_107 = tpu.memref_slice %arg3[%add3A_101] : memref<65536xi32, #tpu.memory_space<hbm>> -> memref<512xi32, #tpu.memory_space<hbm>>
    tpu.enqueue_dma source(%dma_start3A_107 : memref<512xi32, #tpu.memory_space<hbm>>) target(%dma_start3A_106 : memref<512xi32, #tpu.memory_space<vmem>>) target_semaphore(%arg17 : memref<!tpu.dma_semaphore, #tpu.memory_space<semaphore_mem>>)
    %add3A_108 = arith.constant 1536 : i32
    %add3A_109 = arith.addi %mul3A_2, %add3A_108 : i32
    %dma_start3A_110 = arith.constant 0 : i32
    %dma_start3A_111 = arith.constant 1536 : i32
    %dma_start3A_112 = tpu.memref_slice %arg10[%dma_start3A_110, %dma_start3A_111] : memref<1x2048xi32, #tpu.memory_space<vmem>> -> memref<1x512xi32, #tpu.memory_space<vmem>>
    %dma_start3A_113 = arith.constant 0 : i32
    %dma_start3A_114 = tpu.memref_slice %arg4[%dma_start3A_113, %add3A_109] : memref<1x65536xi32, #tpu.memory_space<hbm>> -> memref<1x512xi32, #tpu.memory_space<hbm>>
    %dma_start3A_115 = arith.constant 0 : i32
    %dma_start3A_116 = arith.constant 1536 : i32
    %dma_start3A_117 = tpu.memref_slice %arg10[%dma_start3A_115, %dma_start3A_116] : memref<1x2048xi32, #tpu.memory_space<vmem>> -> memref<1x512xi32, #tpu.memory_space<vmem>>
    %dma_start3A_118 = arith.constant 0 : i32
    %dma_start3A_119 = tpu.memref_slice %arg4[%dma_start3A_118, %add3A_109] : memref<1x65536xi32, #tpu.memory_space<hbm>> -> memref<1x512xi32, #tpu.memory_space<hbm>>
    tpu.enqueue_dma source(%dma_start3A_119 : memref<1x512xi32, #tpu.memory_space<hbm>>) target(%dma_start3A_117 : memref<1x512xi32, #tpu.memory_space<vmem>>) target_semaphore(%arg17 : memref<!tpu.dma_semaphore, #tpu.memory_space<semaphore_mem>>)
    %add3A_120 = arith.constant 1536 : i32
    %add3A_121 = arith.addi %mul3A_2, %add3A_120 : i32
    %dma_start3A_122 = arith.constant 0 : i32
    %dma_start3A_123 = arith.constant 1536 : i32
    %dma_start3A_124 = tpu.memref_slice %arg11[%dma_start3A_122, %dma_start3A_123] : memref<8x2048xf32, #tpu.memory_space<vmem>> -> memref<8x512xf32, #tpu.memory_space<vmem>>
    %dma_start3A_125 = arith.constant 0 : i32
    %dma_start3A_126 = tpu.memref_slice %arg5[%dma_start3A_125, %add3A_121] : memref<8x65536xf32, #tpu.memory_space<hbm>> -> memref<8x512xf32, #tpu.memory_space<hbm>>
    %dma_start3A_127 = arith.constant 0 : i32
    %dma_start3A_128 = arith.constant 1536 : i32
    %dma_start3A_129 = tpu.memref_slice %arg11[%dma_start3A_127, %dma_start3A_128] : memref<8x2048xf32, #tpu.memory_space<vmem>> -> memref<8x512xf32, #tpu.memory_space<vmem>>
    %dma_start3A_130 = arith.constant 0 : i32
    %dma_start3A_131 = tpu.memref_slice %arg5[%dma_start3A_130, %add3A_121] : memref<8x65536xf32, #tpu.memory_space<hbm>> -> memref<8x512xf32, #tpu.memory_space<hbm>>
    tpu.enqueue_dma source(%dma_start3A_131 : memref<8x512xf32, #tpu.memory_space<hbm>>) target(%dma_start3A_129 : memref<8x512xf32, #tpu.memory_space<vmem>>) target_semaphore(%arg17 : memref<!tpu.dma_semaphore, #tpu.memory_space<semaphore_mem>>)
    %barrier3A = arith.constant 0 : index
    tpu.barrier barrier_id(%barrier3A)
    tpu.enqueue_dma source(%arg7 : memref<12288xf32, #tpu.memory_space<vmem_shared>>) target(%arg8 : memref<12288xf32, #tpu.memory_space<vmem>>) target_semaphore(%arg13 : memref<!tpu.dma_semaphore, #tpu.memory_space<semaphore_mem>>)
    tpu.wait_dma2 semaphore(%arg13 : memref<!tpu.dma_semaphore, #tpu.memory_space<semaphore_mem>>) src(%arg7 : memref<12288xf32, #tpu.memory_space<vmem_shared>>) dst(%arg8 : memref<12288xf32, #tpu.memory_space<vmem>>)
    %dma_wait3A = arith.constant 0 : i32
    %dma_wait3A_132 = tpu.memref_slice %arg9[%dma_wait3A] : memref<2048xi32, #tpu.memory_space<vmem>> -> memref<512xi32, #tpu.memory_space<vmem>>
    %dma_wait3A_133 = tpu.memref_slice %arg3[%add3A_6] : memref<65536xi32, #tpu.memory_space<hbm>> -> memref<512xi32, #tpu.memory_space<hbm>>
    %dma_wait3A_134 = arith.constant 0 : i32
    %dma_wait3A_135 = tpu.memref_slice %arg9[%dma_wait3A_134] : memref<2048xi32, #tpu.memory_space<vmem>> -> memref<512xi32, #tpu.memory_space<vmem>>
    %dma_wait3A_136 = tpu.memref_slice %arg3[%add3A_6] : memref<65536xi32, #tpu.memory_space<hbm>> -> memref<512xi32, #tpu.memory_space<hbm>>
    tpu.wait_dma2 semaphore(%arg14 : memref<!tpu.dma_semaphore, #tpu.memory_space<semaphore_mem>>) src(%dma_wait3A_136 : memref<512xi32, #tpu.memory_space<hbm>>) dst(%dma_wait3A_135 : memref<512xi32, #tpu.memory_space<vmem>>)
    %dma_wait3A_137 = arith.constant 0 : i32
    %dma_wait3A_138 = arith.constant 0 : i32
    %dma_wait3A_139 = tpu.memref_slice %arg10[%dma_wait3A_137, %dma_wait3A_138] : memref<1x2048xi32, #tpu.memory_space<vmem>> -> memref<1x512xi32, #tpu.memory_space<vmem>>
    %dma_wait3A_140 = arith.constant 0 : i32
    %dma_wait3A_141 = tpu.memref_slice %arg4[%dma_wait3A_140, %add3A_13] : memref<1x65536xi32, #tpu.memory_space<hbm>> -> memref<1x512xi32, #tpu.memory_space<hbm>>
    %dma_wait3A_142 = arith.constant 0 : i32
    %dma_wait3A_143 = arith.constant 0 : i32
    %dma_wait3A_144 = tpu.memref_slice %arg10[%dma_wait3A_142, %dma_wait3A_143] : memref<1x2048xi32, #tpu.memory_space<vmem>> -> memref<1x512xi32, #tpu.memory_space<vmem>>
    %dma_wait3A_145 = arith.constant 0 : i32
    %dma_wait3A_146 = tpu.memref_slice %arg4[%dma_wait3A_145, %add3A_13] : memref<1x65536xi32, #tpu.memory_space<hbm>> -> memref<1x512xi32, #tpu.memory_space<hbm>>
    tpu.wait_dma2 semaphore(%arg14 : memref<!tpu.dma_semaphore, #tpu.memory_space<semaphore_mem>>) src(%dma_wait3A_146 : memref<1x512xi32, #tpu.memory_space<hbm>>) dst(%dma_wait3A_144 : memref<1x512xi32, #tpu.memory_space<vmem>>)
    %dma_wait3A_147 = arith.constant 0 : i32
    %dma_wait3A_148 = arith.constant 0 : i32
    %dma_wait3A_149 = tpu.memref_slice %arg11[%dma_wait3A_147, %dma_wait3A_148] : memref<8x2048xf32, #tpu.memory_space<vmem>> -> memref<8x512xf32, #tpu.memory_space<vmem>>
    %dma_wait3A_150 = arith.constant 0 : i32
    %dma_wait3A_151 = tpu.memref_slice %arg5[%dma_wait3A_150, %add3A_25] : memref<8x65536xf32, #tpu.memory_space<hbm>> -> memref<8x512xf32, #tpu.memory_space<hbm>>
    %dma_wait3A_152 = arith.constant 0 : i32
    %dma_wait3A_153 = arith.constant 0 : i32
    %dma_wait3A_154 = tpu.memref_slice %arg11[%dma_wait3A_152, %dma_wait3A_153] : memref<8x2048xf32, #tpu.memory_space<vmem>> -> memref<8x512xf32, #tpu.memory_space<vmem>>
    %dma_wait3A_155 = arith.constant 0 : i32
    %dma_wait3A_156 = tpu.memref_slice %arg5[%dma_wait3A_155, %add3A_25] : memref<8x65536xf32, #tpu.memory_space<hbm>> -> memref<8x512xf32, #tpu.memory_space<hbm>>
    tpu.wait_dma2 semaphore(%arg14 : memref<!tpu.dma_semaphore, #tpu.memory_space<semaphore_mem>>) src(%dma_wait3A_156 : memref<8x512xf32, #tpu.memory_space<hbm>>) dst(%dma_wait3A_154 : memref<8x512xf32, #tpu.memory_space<vmem>>)
    %parallel_loop3A = arith.constant 0 : i32
    %parallel_loop3A_157 = arith.constant 512 : i32
    %parallel_loop3A_158 = arith.constant 16 : i32
    scf.for %parallel_loop3A_319 = %parallel_loop3A to %parallel_loop3A_157 step %parallel_loop3A_158  : i32 {
      %parallel_loop3A_320 = arith.index_cast %parallel_loop3A_319 : i32 to index
      %parallel_loop3A_321 = tpu.vector_load %arg9[%parallel_loop3A_320] {strides = array<i32>} : memref<2048xi32, #tpu.memory_space<vmem>>, vector<16xi32>,
      %parallel_loop3A_322 = arith.constant 0 : i32
      %parallel_loop3A_323 = arith.index_cast %parallel_loop3A_322 : i32 to index
      %parallel_loop3A_324 = arith.index_cast %parallel_loop3A_319 : i32 to index
      %parallel_loop3A_325 = tpu.vector_load %arg10[%parallel_loop3A_323, %parallel_loop3A_324] {strides = array<i32>} : memref<1x2048xi32, #tpu.memory_space<vmem>>, vector<16xi32>,
      %parallel_loop3A_326 = arith.constant 1 : i32
      %parallel_loop3A_327 = vector.broadcast %parallel_loop3A_326 : i32 to vector<16xi32>
      %parallel_loop3A_328 = arith.cmpi eq, %parallel_loop3A_325, %parallel_loop3A_327 : vector<16xi32>
      %parallel_loop3A_329 = arith.constant 1016 : i32
      %parallel_loop3A_330 = vector.broadcast %parallel_loop3A_329 : i32 to vector<16xi32>
      %parallel_loop3A_331 = arith.select %parallel_loop3A_328, %parallel_loop3A_321, %parallel_loop3A_330 : vector<16xi1>, vector<16xi32>
      %parallel_loop3A_332 = arith.constant 0 : i32
      %parallel_loop3A_333 = arith.index_cast %parallel_loop3A_332 : i32 to index
      %parallel_loop3A_334 = arith.index_cast %parallel_loop3A_319 : i32 to index
      %parallel_loop3A_335 = tpu.vector_load %arg11[%parallel_loop3A_333, %parallel_loop3A_334] {strides = array<i32>} : memref<8x2048xf32, #tpu.memory_space<vmem>>, vector<16xf32>,
      %parallel_loop3A_336 = arith.constant 1 : i32
      %parallel_loop3A_337 = arith.index_cast %parallel_loop3A_336 : i32 to index
      %parallel_loop3A_338 = arith.index_cast %parallel_loop3A_319 : i32 to index
      %parallel_loop3A_339 = tpu.vector_load %arg11[%parallel_loop3A_337, %parallel_loop3A_338] {strides = array<i32>} : memref<8x2048xf32, #tpu.memory_space<vmem>>, vector<16xf32>,
      %parallel_loop3A_340 = arith.constant 2 : i32
      %parallel_loop3A_341 = arith.index_cast %parallel_loop3A_340 : i32 to index
      %parallel_loop3A_342 = arith.index_cast %parallel_loop3A_319 : i32 to index
      %parallel_loop3A_343 = tpu.vector_load %arg11[%parallel_loop3A_341, %parallel_loop3A_342] {strides = array<i32>} : memref<8x2048xf32, #tpu.memory_space<vmem>>, vector<16xf32>,
      %parallel_loop3A_344 = arith.constant 3 : i32
      %parallel_loop3A_345 = arith.index_cast %parallel_loop3A_344 : i32 to index
      %parallel_loop3A_346 = arith.index_cast %parallel_loop3A_319 : i32 to index
      %parallel_loop3A_347 = tpu.vector_load %arg11[%parallel_loop3A_345, %parallel_loop3A_346] {strides = array<i32>} : memref<8x2048xf32, #tpu.memory_space<vmem>>, vector<16xf32>,
      %parallel_loop3A_348 = arith.constant 4 : i32
      %parallel_loop3A_349 = arith.index_cast %parallel_loop3A_348 : i32 to index
      %parallel_loop3A_350 = arith.index_cast %parallel_loop3A_319 : i32 to index
      %parallel_loop3A_351 = tpu.vector_load %arg11[%parallel_loop3A_349, %parallel_loop3A_350] {strides = array<i32>} : memref<8x2048xf32, #tpu.memory_space<vmem>>, vector<16xf32>,
      %parallel_loop3A_352 = arith.constant 5 : i32
      %parallel_loop3A_353 = arith.index_cast %parallel_loop3A_352 : i32 to index
      %parallel_loop3A_354 = arith.index_cast %parallel_loop3A_319 : i32 to index
      %parallel_loop3A_355 = tpu.vector_load %arg11[%parallel_loop3A_353, %parallel_loop3A_354] {strides = array<i32>} : memref<8x2048xf32, #tpu.memory_space<vmem>>, vector<16xf32>,
      %parallel_loop3A_356 = arith.constant 6 : i32
      %parallel_loop3A_357 = arith.index_cast %parallel_loop3A_356 : i32 to index
      %parallel_loop3A_358 = arith.index_cast %parallel_loop3A_319 : i32 to index
      %parallel_loop3A_359 = tpu.vector_load %arg11[%parallel_loop3A_357, %parallel_loop3A_358] {strides = array<i32>} : memref<8x2048xf32, #tpu.memory_space<vmem>>, vector<16xf32>,
      %parallel_loop3A_360 = arith.constant 7 : i32
      %parallel_loop3A_361 = arith.index_cast %parallel_loop3A_360 : i32 to index
      %parallel_loop3A_362 = arith.index_cast %parallel_loop3A_319 : i32 to index
      %parallel_loop3A_363 = tpu.vector_load %arg11[%parallel_loop3A_361, %parallel_loop3A_362] {strides = array<i32>} : memref<8x2048xf32, #tpu.memory_space<vmem>>, vector<16xf32>,
      %parallel_loop3A_364 = arith.constant 0 : i32
      %parallel_loop3A_365 = vector.broadcast %parallel_loop3A_364 : i32 to vector<16xi32>
      %parallel_loop3A_366 = arith.addi %parallel_loop3A_331, %parallel_loop3A_365 : vector<16xi32>
      %parallel_loop3A_367 = tpu.vector_load_idx %arg8[%parallel_loop3A_366] : memref<12288xf32, #tpu.memory_space<vmem>>[vector<16xi32>], vector<16xf32>,
      %parallel_loop3A_368 = arith.constant 1024 : i32
      %parallel_loop3A_369 = vector.broadcast %parallel_loop3A_368 : i32 to vector<16xi32>
      %parallel_loop3A_370 = arith.addi %parallel_loop3A_331, %parallel_loop3A_369 : vector<16xi32>
      %parallel_loop3A_371 = tpu.vector_load_idx %arg8[%parallel_loop3A_370] : memref<12288xf32, #tpu.memory_space<vmem>>[vector<16xi32>], vector<16xf32>,
      %parallel_loop3A_372 = arith.constant 2048 : i32
      %parallel_loop3A_373 = vector.broadcast %parallel_loop3A_372 : i32 to vector<16xi32>
      %parallel_loop3A_374 = arith.addi %parallel_loop3A_331, %parallel_loop3A_373 : vector<16xi32>
      %parallel_loop3A_375 = tpu.vector_load_idx %arg8[%parallel_loop3A_374] : memref<12288xf32, #tpu.memory_space<vmem>>[vector<16xi32>], vector<16xf32>,
      %parallel_loop3A_376 = arith.constant 3072 : i32
      %parallel_loop3A_377 = vector.broadcast %parallel_loop3A_376 : i32 to vector<16xi32>
      %parallel_loop3A_378 = arith.addi %parallel_loop3A_331, %parallel_loop3A_377 : vector<16xi32>
      %parallel_loop3A_379 = tpu.vector_load_idx %arg8[%parallel_loop3A_378] : memref<12288xf32, #tpu.memory_space<vmem>>[vector<16xi32>], vector<16xf32>,
      %parallel_loop3A_380 = arith.constant 4096 : i32
      %parallel_loop3A_381 = vector.broadcast %parallel_loop3A_380 : i32 to vector<16xi32>
      %parallel_loop3A_382 = arith.addi %parallel_loop3A_331, %parallel_loop3A_381 : vector<16xi32>
      %parallel_loop3A_383 = tpu.vector_load_idx %arg8[%parallel_loop3A_382] : memref<12288xf32, #tpu.memory_space<vmem>>[vector<16xi32>], vector<16xf32>,
      %parallel_loop3A_384 = arith.constant 5120 : i32
      %parallel_loop3A_385 = vector.broadcast %parallel_loop3A_384 : i32 to vector<16xi32>
      %parallel_loop3A_386 = arith.addi %parallel_loop3A_331, %parallel_loop3A_385 : vector<16xi32>
      %parallel_loop3A_387 = tpu.vector_load_idx %arg8[%parallel_loop3A_386] : memref<12288xf32, #tpu.memory_space<vmem>>[vector<16xi32>], vector<16xf32>,
      %parallel_loop3A_388 = arith.constant 6144 : i32
      %parallel_loop3A_389 = vector.broadcast %parallel_loop3A_388 : i32 to vector<16xi32>
      %parallel_loop3A_390 = arith.addi %parallel_loop3A_331, %parallel_loop3A_389 : vector<16xi32>
      %parallel_loop3A_391 = tpu.vector_load_idx %arg8[%parallel_loop3A_390] : memref<12288xf32, #tpu.memory_space<vmem>>[vector<16xi32>], vector<16xf32>,
      %parallel_loop3A_392 = arith.constant 7168 : i32
      %parallel_loop3A_393 = vector.broadcast %parallel_loop3A_392 : i32 to vector<16xi32>
      %parallel_loop3A_394 = arith.addi %parallel_loop3A_331, %parallel_loop3A_393 : vector<16xi32>
      %parallel_loop3A_395 = tpu.vector_load_idx %arg8[%parallel_loop3A_394] : memref<12288xf32, #tpu.memory_space<vmem>>[vector<16xi32>], vector<16xf32>,
      %parallel_loop3A_396 = arith.constant 8192 : i32
      %parallel_loop3A_397 = vector.broadcast %parallel_loop3A_396 : i32 to vector<16xi32>
      %parallel_loop3A_398 = arith.addi %parallel_loop3A_331, %parallel_loop3A_397 : vector<16xi32>
      %parallel_loop3A_399 = tpu.vector_load_idx %arg8[%parallel_loop3A_398] : memref<12288xf32, #tpu.memory_space<vmem>>[vector<16xi32>], vector<16xf32>,
      %parallel_loop3A_400 = arith.constant 9216 : i32
      %parallel_loop3A_401 = vector.broadcast %parallel_loop3A_400 : i32 to vector<16xi32>
      %parallel_loop3A_402 = arith.addi %parallel_loop3A_331, %parallel_loop3A_401 : vector<16xi32>
      %parallel_loop3A_403 = tpu.vector_load_idx %arg8[%parallel_loop3A_402] : memref<12288xf32, #tpu.memory_space<vmem>>[vector<16xi32>], vector<16xf32>,
      %parallel_loop3A_404 = arith.constant 10240 : i32
      %parallel_loop3A_405 = vector.broadcast %parallel_loop3A_404 : i32 to vector<16xi32>
      %parallel_loop3A_406 = arith.addi %parallel_loop3A_331, %parallel_loop3A_405 : vector<16xi32>
      %parallel_loop3A_407 = tpu.vector_load_idx %arg8[%parallel_loop3A_406] : memref<12288xf32, #tpu.memory_space<vmem>>[vector<16xi32>], vector<16xf32>,
      %parallel_loop3A_408 = arith.constant 11264 : i32
      %parallel_loop3A_409 = vector.broadcast %parallel_loop3A_408 : i32 to vector<16xi32>
      %parallel_loop3A_410 = arith.addi %parallel_loop3A_331, %parallel_loop3A_409 : vector<16xi32>
      %parallel_loop3A_411 = tpu.vector_load_idx %arg8[%parallel_loop3A_410] : memref<12288xf32, #tpu.memory_space<vmem>>[vector<16xi32>], vector<16xf32>,
      %parallel_loop3A_412 = arith.addf %parallel_loop3A_335, %parallel_loop3A_403 : vector<16xf32>
      %parallel_loop3A_413 = arith.addf %parallel_loop3A_339, %parallel_loop3A_407 : vector<16xf32>
      %parallel_loop3A_414 = arith.addf %parallel_loop3A_343, %parallel_loop3A_411 : vector<16xf32>
      %parallel_loop3A_415 = arith.mulf %parallel_loop3A_367, %parallel_loop3A_347 : vector<16xf32>
      %parallel_loop3A_416 = arith.mulf %parallel_loop3A_371, %parallel_loop3A_351 : vector<16xf32>
      %parallel_loop3A_417 = arith.addf %parallel_loop3A_415, %parallel_loop3A_416 : vector<16xf32>
      %parallel_loop3A_418 = arith.mulf %parallel_loop3A_375, %parallel_loop3A_355 : vector<16xf32>
      %parallel_loop3A_419 = arith.addf %parallel_loop3A_417, %parallel_loop3A_418 : vector<16xf32>
      %parallel_loop3A_420 = arith.mulf %parallel_loop3A_379, %parallel_loop3A_347 : vector<16xf32>
      %parallel_loop3A_421 = arith.mulf %parallel_loop3A_383, %parallel_loop3A_351 : vector<16xf32>
      %parallel_loop3A_422 = arith.addf %parallel_loop3A_420, %parallel_loop3A_421 : vector<16xf32>
      %parallel_loop3A_423 = arith.mulf %parallel_loop3A_387, %parallel_loop3A_355 : vector<16xf32>
      %parallel_loop3A_424 = arith.addf %parallel_loop3A_422, %parallel_loop3A_423 : vector<16xf32>
      %parallel_loop3A_425 = arith.mulf %parallel_loop3A_391, %parallel_loop3A_347 : vector<16xf32>
      %parallel_loop3A_426 = arith.mulf %parallel_loop3A_395, %parallel_loop3A_351 : vector<16xf32>
      %parallel_loop3A_427 = arith.addf %parallel_loop3A_425, %parallel_loop3A_426 : vector<16xf32>
      %parallel_loop3A_428 = arith.mulf %parallel_loop3A_399, %parallel_loop3A_355 : vector<16xf32>
      %parallel_loop3A_429 = arith.addf %parallel_loop3A_427, %parallel_loop3A_428 : vector<16xf32>
      %parallel_loop3A_430 = arith.constant 0 : i32
      %parallel_loop3A_431 = arith.index_cast %parallel_loop3A_430 : i32 to index
      %parallel_loop3A_432 = arith.index_cast %parallel_loop3A_319 : i32 to index
      %parallel_loop3A_433 = tpu.vector_load %arg12[%parallel_loop3A_431, %parallel_loop3A_432] {strides = array<i32>} : memref<8x2048xf32, #tpu.memory_space<vmem>>, vector<16xf32>,
      tpu.vector_store %arg12[%parallel_loop3A_431, %parallel_loop3A_432], %parallel_loop3A_412 {strides = array<i32>} : memref<8x2048xf32, #tpu.memory_space<vmem>>, vector<16xf32>,
      %parallel_loop3A_434 = arith.constant 1 : i32
      %parallel_loop3A_435 = arith.index_cast %parallel_loop3A_434 : i32 to index
      %parallel_loop3A_436 = arith.index_cast %parallel_loop3A_319 : i32 to index
      %parallel_loop3A_437 = tpu.vector_load %arg12[%parallel_loop3A_435, %parallel_loop3A_436] {strides = array<i32>} : memref<8x2048xf32, #tpu.memory_space<vmem>>, vector<16xf32>,
      tpu.vector_store %arg12[%parallel_loop3A_435, %parallel_loop3A_436], %parallel_loop3A_413 {strides = array<i32>} : memref<8x2048xf32, #tpu.memory_space<vmem>>, vector<16xf32>,
      %parallel_loop3A_438 = arith.constant 2 : i32
      %parallel_loop3A_439 = arith.index_cast %parallel_loop3A_438 : i32 to index
      %parallel_loop3A_440 = arith.index_cast %parallel_loop3A_319 : i32 to index
      %parallel_loop3A_441 = tpu.vector_load %arg12[%parallel_loop3A_439, %parallel_loop3A_440] {strides = array<i32>} : memref<8x2048xf32, #tpu.memory_space<vmem>>, vector<16xf32>,
      tpu.vector_store %arg12[%parallel_loop3A_439, %parallel_loop3A_440], %parallel_loop3A_414 {strides = array<i32>} : memref<8x2048xf32, #tpu.memory_space<vmem>>, vector<16xf32>,
      %parallel_loop3A_442 = arith.constant 3 : i32
      %parallel_loop3A_443 = arith.index_cast %parallel_loop3A_442 : i32 to index
      %parallel_loop3A_444 = arith.index_cast %parallel_loop3A_319 : i32 to index
      %parallel_loop3A_445 = tpu.vector_load %arg12[%parallel_loop3A_443, %parallel_loop3A_444] {strides = array<i32>} : memref<8x2048xf32, #tpu.memory_space<vmem>>, vector<16xf32>,
      tpu.vector_store %arg12[%parallel_loop3A_443, %parallel_loop3A_444], %parallel_loop3A_419 {strides = array<i32>} : memref<8x2048xf32, #tpu.memory_space<vmem>>, vector<16xf32>,
      %parallel_loop3A_446 = arith.constant 4 : i32
      %parallel_loop3A_447 = arith.index_cast %parallel_loop3A_446 : i32 to index
      %parallel_loop3A_448 = arith.index_cast %parallel_loop3A_319 : i32 to index
      %parallel_loop3A_449 = tpu.vector_load %arg12[%parallel_loop3A_447, %parallel_loop3A_448] {strides = array<i32>} : memref<8x2048xf32, #tpu.memory_space<vmem>>, vector<16xf32>,
      tpu.vector_store %arg12[%parallel_loop3A_447, %parallel_loop3A_448], %parallel_loop3A_424 {strides = array<i32>} : memref<8x2048xf32, #tpu.memory_space<vmem>>, vector<16xf32>,
      %parallel_loop3A_450 = arith.constant 5 : i32
      %parallel_loop3A_451 = arith.index_cast %parallel_loop3A_450 : i32 to index
      %parallel_loop3A_452 = arith.index_cast %parallel_loop3A_319 : i32 to index
      %parallel_loop3A_453 = tpu.vector_load %arg12[%parallel_loop3A_451, %parallel_loop3A_452] {strides = array<i32>} : memref<8x2048xf32, #tpu.memory_space<vmem>>, vector<16xf32>,
      tpu.vector_store %arg12[%parallel_loop3A_451, %parallel_loop3A_452], %parallel_loop3A_429 {strides = array<i32>} : memref<8x2048xf32, #tpu.memory_space<vmem>>, vector<16xf32>,
      %parallel_loop3A_454 = arith.constant 6 : i32
      %parallel_loop3A_455 = arith.index_cast %parallel_loop3A_454 : i32 to index
      %parallel_loop3A_456 = arith.index_cast %parallel_loop3A_319 : i32 to index
      %parallel_loop3A_457 = tpu.vector_load %arg12[%parallel_loop3A_455, %parallel_loop3A_456] {strides = array<i32>} : memref<8x2048xf32, #tpu.memory_space<vmem>>, vector<16xf32>,
      tpu.vector_store %arg12[%parallel_loop3A_455, %parallel_loop3A_456], %parallel_loop3A_359 {strides = array<i32>} : memref<8x2048xf32, #tpu.memory_space<vmem>>, vector<16xf32>,
      %parallel_loop3A_458 = arith.constant 7 : i32
      %parallel_loop3A_459 = arith.index_cast %parallel_loop3A_458 : i32 to index
      %parallel_loop3A_460 = arith.index_cast %parallel_loop3A_319 : i32 to index
      %parallel_loop3A_461 = tpu.vector_load %arg12[%parallel_loop3A_459, %parallel_loop3A_460] {strides = array<i32>} : memref<8x2048xf32, #tpu.memory_space<vmem>>, vector<16xf32>,
      tpu.vector_store %arg12[%parallel_loop3A_459, %parallel_loop3A_460], %parallel_loop3A_363 {strides = array<i32>} : memref<8x2048xf32, #tpu.memory_space<vmem>>, vector<16xf32>,
    } {sc.loop_unroll_factor = 1 : i64, sc.parallel_access}
    %eq3A_159 = arith.constant 0 : i32
    %eq3A_160 = arith.cmpi eq, %add3A, %eq3A_159 : i32
    %convert_element_type3A_161 = arith.extui %eq3A_160 : i1 to i32
    %cond3A_162 = arith.constant 0 : i32
    %cond3A_163 = arith.cmpi ne, %convert_element_type3A_161, %cond3A_162 : i32
    scf.if %cond3A_163 {
      %iota3A = tpu.iota {dimensions = array<i32: 0>} : vector<16xi32>
      %ge3A = arith.constant 6 : i32
      %ge3A_319 = vector.broadcast %ge3A : i32 to vector<16xi32>
      %ge3A_320 = arith.cmpi sge, %iota3A, %ge3A_319 : vector<16xi32>
      %broadcast_in_dim3A = arith.constant 0.000000e+00 : f32
      %broadcast_in_dim3A_321 = vector.broadcast %broadcast_in_dim3A : f32 to vector<16xf32>
      %get3A = arith.constant 6 : i32
      %get3A_322 = arith.index_cast %get3A : i32 to index
      %get3A_323 = arith.constant 0 : index
      %get3A_324 = tpu.vector_load %arg12[%get3A_322, %get3A_323] {strides = array<i32>} : memref<8x2048xf32, #tpu.memory_space<vmem>>, vector<16xf32>,
      %select_n3A = arith.select %ge3A_320, %get3A_324, %broadcast_in_dim3A_321 : vector<16xi1>, vector<16xf32>
      %swap3A = arith.constant 6 : i32
      %swap3A_325 = arith.index_cast %swap3A : i32 to index
      %swap3A_326 = arith.constant 0 : index
      %swap3A_327 = tpu.vector_load %arg12[%swap3A_325, %swap3A_326] {strides = array<i32>} : memref<8x2048xf32, #tpu.memory_space<vmem>>, vector<16xf32>,
      tpu.vector_store %arg12[%swap3A_325, %swap3A_326], %select_n3A {strides = array<i32>} : memref<8x2048xf32, #tpu.memory_space<vmem>>, vector<16xf32>,
      %get3A_328 = arith.constant 7 : i32
      %get3A_329 = arith.index_cast %get3A_328 : i32 to index
      %get3A_330 = arith.constant 0 : index
      %get3A_331 = tpu.vector_load %arg12[%get3A_329, %get3A_330] {strides = array<i32>} : memref<8x2048xf32, #tpu.memory_space<vmem>>, vector<16xf32>,
      %select_n3A_332 = arith.select %ge3A_320, %get3A_331, %broadcast_in_dim3A_321 : vector<16xi1>, vector<16xf32>
      %swap3A_333 = arith.constant 7 : i32
      %swap3A_334 = arith.index_cast %swap3A_333 : i32 to index
      %swap3A_335 = arith.constant 0 : index
      %swap3A_336 = tpu.vector_load %arg12[%swap3A_334, %swap3A_335] {strides = array<i32>} : memref<8x2048xf32, #tpu.memory_space<vmem>>, vector<16xf32>,
      tpu.vector_store %arg12[%swap3A_334, %swap3A_335], %select_n3A_332 {strides = array<i32>} : memref<8x2048xf32, #tpu.memory_space<vmem>>, vector<16xf32>,
    } else {
    }
    %add3A_164 = arith.constant 0 : i32
    %add3A_165 = arith.addi %mul3A_2, %add3A_164 : i32
    %dma_start3A_166 = arith.constant 0 : i32
    %dma_start3A_167 = arith.constant 0 : i32
    %dma_start3A_168 = tpu.memref_slice %arg12[%dma_start3A_166, %dma_start3A_167] : memref<8x2048xf32, #tpu.memory_space<vmem>> -> memref<8x512xf32, #tpu.memory_space<vmem>>
    %dma_start3A_169 = arith.constant 0 : i32
    %dma_start3A_170 = tpu.memref_slice %arg6[%dma_start3A_169, %add3A_165] : memref<8x65536xf32, #tpu.memory_space<hbm>> -> memref<8x512xf32, #tpu.memory_space<hbm>>
    %dma_start3A_171 = arith.constant 0 : i32
    %dma_start3A_172 = tpu.memref_slice %arg6[%dma_start3A_171, %add3A_165] : memref<8x65536xf32, #tpu.memory_space<hbm>> -> memref<8x512xf32, #tpu.memory_space<hbm>>
    %dma_start3A_173 = arith.constant 0 : i32
    %dma_start3A_174 = arith.constant 0 : i32
    %dma_start3A_175 = tpu.memref_slice %arg12[%dma_start3A_173, %dma_start3A_174] : memref<8x2048xf32, #tpu.memory_space<vmem>> -> memref<8x512xf32, #tpu.memory_space<vmem>>
    tpu.enqueue_dma source(%dma_start3A_175 : memref<8x512xf32, #tpu.memory_space<vmem>>) target(%dma_start3A_172 : memref<8x512xf32, #tpu.memory_space<hbm>>) target_semaphore(%arg18 : memref<!tpu.dma_semaphore, #tpu.memory_space<semaphore_mem>>)
    %dma_wait3A_176 = arith.constant 512 : i32
    %dma_wait3A_177 = tpu.memref_slice %arg9[%dma_wait3A_176] : memref<2048xi32, #tpu.memory_space<vmem>> -> memref<512xi32, #tpu.memory_space<vmem>>
    %dma_wait3A_178 = tpu.memref_slice %arg3[%add3A_37] : memref<65536xi32, #tpu.memory_space<hbm>> -> memref<512xi32, #tpu.memory_space<hbm>>
    %dma_wait3A_179 = arith.constant 512 : i32
    %dma_wait3A_180 = tpu.memref_slice %arg9[%dma_wait3A_179] : memref<2048xi32, #tpu.memory_space<vmem>> -> memref<512xi32, #tpu.memory_space<vmem>>
    %dma_wait3A_181 = tpu.memref_slice %arg3[%add3A_37] : memref<65536xi32, #tpu.memory_space<hbm>> -> memref<512xi32, #tpu.memory_space<hbm>>
    tpu.wait_dma2 semaphore(%arg15 : memref<!tpu.dma_semaphore, #tpu.memory_space<semaphore_mem>>) src(%dma_wait3A_181 : memref<512xi32, #tpu.memory_space<hbm>>) dst(%dma_wait3A_180 : memref<512xi32, #tpu.memory_space<vmem>>)
    %dma_wait3A_182 = arith.constant 0 : i32
    %dma_wait3A_183 = arith.constant 512 : i32
    %dma_wait3A_184 = tpu.memref_slice %arg10[%dma_wait3A_182, %dma_wait3A_183] : memref<1x2048xi32, #tpu.memory_space<vmem>> -> memref<1x512xi32, #tpu.memory_space<vmem>>
    %dma_wait3A_185 = arith.constant 0 : i32
    %dma_wait3A_186 = tpu.memref_slice %arg4[%dma_wait3A_185, %add3A_45] : memref<1x65536xi32, #tpu.memory_space<hbm>> -> memref<1x512xi32, #tpu.memory_space<hbm>>
    %dma_wait3A_187 = arith.constant 0 : i32
    %dma_wait3A_188 = arith.constant 512 : i32
    %dma_wait3A_189 = tpu.memref_slice %arg10[%dma_wait3A_187, %dma_wait3A_188] : memref<1x2048xi32, #tpu.memory_space<vmem>> -> memref<1x512xi32, #tpu.memory_space<vmem>>
    %dma_wait3A_190 = arith.constant 0 : i32
    %dma_wait3A_191 = tpu.memref_slice %arg4[%dma_wait3A_190, %add3A_45] : memref<1x65536xi32, #tpu.memory_space<hbm>> -> memref<1x512xi32, #tpu.memory_space<hbm>>
    tpu.wait_dma2 semaphore(%arg15 : memref<!tpu.dma_semaphore, #tpu.memory_space<semaphore_mem>>) src(%dma_wait3A_191 : memref<1x512xi32, #tpu.memory_space<hbm>>) dst(%dma_wait3A_189 : memref<1x512xi32, #tpu.memory_space<vmem>>)
    %dma_wait3A_192 = arith.constant 0 : i32
    %dma_wait3A_193 = arith.constant 512 : i32
    %dma_wait3A_194 = tpu.memref_slice %arg11[%dma_wait3A_192, %dma_wait3A_193] : memref<8x2048xf32, #tpu.memory_space<vmem>> -> memref<8x512xf32, #tpu.memory_space<vmem>>
    %dma_wait3A_195 = arith.constant 0 : i32
    %dma_wait3A_196 = tpu.memref_slice %arg5[%dma_wait3A_195, %add3A_57] : memref<8x65536xf32, #tpu.memory_space<hbm>> -> memref<8x512xf32, #tpu.memory_space<hbm>>
    %dma_wait3A_197 = arith.constant 0 : i32
    %dma_wait3A_198 = arith.constant 512 : i32
    %dma_wait3A_199 = tpu.memref_slice %arg11[%dma_wait3A_197, %dma_wait3A_198] : memref<8x2048xf32, #tpu.memory_space<vmem>> -> memref<8x512xf32, #tpu.memory_space<vmem>>
    %dma_wait3A_200 = arith.constant 0 : i32
    %dma_wait3A_201 = tpu.memref_slice %arg5[%dma_wait3A_200, %add3A_57] : memref<8x65536xf32, #tpu.memory_space<hbm>> -> memref<8x512xf32, #tpu.memory_space<hbm>>
    tpu.wait_dma2 semaphore(%arg15 : memref<!tpu.dma_semaphore, #tpu.memory_space<semaphore_mem>>) src(%dma_wait3A_201 : memref<8x512xf32, #tpu.memory_space<hbm>>) dst(%dma_wait3A_199 : memref<8x512xf32, #tpu.memory_space<vmem>>)
    %parallel_loop3A_202 = arith.constant 512 : i32
    %parallel_loop3A_203 = arith.constant 1024 : i32
    %parallel_loop3A_204 = arith.constant 16 : i32
    scf.for %parallel_loop3A_319 = %parallel_loop3A_202 to %parallel_loop3A_203 step %parallel_loop3A_204  : i32 {
      %parallel_loop3A_320 = arith.index_cast %parallel_loop3A_319 : i32 to index
      %parallel_loop3A_321 = tpu.vector_load %arg9[%parallel_loop3A_320] {strides = array<i32>} : memref<2048xi32, #tpu.memory_space<vmem>>, vector<16xi32>,
      %parallel_loop3A_322 = arith.constant 0 : i32
      %parallel_loop3A_323 = arith.index_cast %parallel_loop3A_322 : i32 to index
      %parallel_loop3A_324 = arith.index_cast %parallel_loop3A_319 : i32 to index
      %parallel_loop3A_325 = tpu.vector_load %arg10[%parallel_loop3A_323, %parallel_loop3A_324] {strides = array<i32>} : memref<1x2048xi32, #tpu.memory_space<vmem>>, vector<16xi32>,
      %parallel_loop3A_326 = arith.constant 1 : i32
      %parallel_loop3A_327 = vector.broadcast %parallel_loop3A_326 : i32 to vector<16xi32>
      %parallel_loop3A_328 = arith.cmpi eq, %parallel_loop3A_325, %parallel_loop3A_327 : vector<16xi32>
      %parallel_loop3A_329 = arith.constant 1016 : i32
      %parallel_loop3A_330 = vector.broadcast %parallel_loop3A_329 : i32 to vector<16xi32>
      %parallel_loop3A_331 = arith.select %parallel_loop3A_328, %parallel_loop3A_321, %parallel_loop3A_330 : vector<16xi1>, vector<16xi32>
      %parallel_loop3A_332 = arith.constant 0 : i32
      %parallel_loop3A_333 = arith.index_cast %parallel_loop3A_332 : i32 to index
      %parallel_loop3A_334 = arith.index_cast %parallel_loop3A_319 : i32 to index
      %parallel_loop3A_335 = tpu.vector_load %arg11[%parallel_loop3A_333, %parallel_loop3A_334] {strides = array<i32>} : memref<8x2048xf32, #tpu.memory_space<vmem>>, vector<16xf32>,
      %parallel_loop3A_336 = arith.constant 1 : i32
      %parallel_loop3A_337 = arith.index_cast %parallel_loop3A_336 : i32 to index
      %parallel_loop3A_338 = arith.index_cast %parallel_loop3A_319 : i32 to index
      %parallel_loop3A_339 = tpu.vector_load %arg11[%parallel_loop3A_337, %parallel_loop3A_338] {strides = array<i32>} : memref<8x2048xf32, #tpu.memory_space<vmem>>, vector<16xf32>,
      %parallel_loop3A_340 = arith.constant 2 : i32
      %parallel_loop3A_341 = arith.index_cast %parallel_loop3A_340 : i32 to index
      %parallel_loop3A_342 = arith.index_cast %parallel_loop3A_319 : i32 to index
      %parallel_loop3A_343 = tpu.vector_load %arg11[%parallel_loop3A_341, %parallel_loop3A_342] {strides = array<i32>} : memref<8x2048xf32, #tpu.memory_space<vmem>>, vector<16xf32>,
      %parallel_loop3A_344 = arith.constant 3 : i32
      %parallel_loop3A_345 = arith.index_cast %parallel_loop3A_344 : i32 to index
      %parallel_loop3A_346 = arith.index_cast %parallel_loop3A_319 : i32 to index
      %parallel_loop3A_347 = tpu.vector_load %arg11[%parallel_loop3A_345, %parallel_loop3A_346] {strides = array<i32>} : memref<8x2048xf32, #tpu.memory_space<vmem>>, vector<16xf32>,
      %parallel_loop3A_348 = arith.constant 4 : i32
      %parallel_loop3A_349 = arith.index_cast %parallel_loop3A_348 : i32 to index
      %parallel_loop3A_350 = arith.index_cast %parallel_loop3A_319 : i32 to index
      %parallel_loop3A_351 = tpu.vector_load %arg11[%parallel_loop3A_349, %parallel_loop3A_350] {strides = array<i32>} : memref<8x2048xf32, #tpu.memory_space<vmem>>, vector<16xf32>,
      %parallel_loop3A_352 = arith.constant 5 : i32
      %parallel_loop3A_353 = arith.index_cast %parallel_loop3A_352 : i32 to index
      %parallel_loop3A_354 = arith.index_cast %parallel_loop3A_319 : i32 to index
      %parallel_loop3A_355 = tpu.vector_load %arg11[%parallel_loop3A_353, %parallel_loop3A_354] {strides = array<i32>} : memref<8x2048xf32, #tpu.memory_space<vmem>>, vector<16xf32>,
      %parallel_loop3A_356 = arith.constant 6 : i32
      %parallel_loop3A_357 = arith.index_cast %parallel_loop3A_356 : i32 to index
      %parallel_loop3A_358 = arith.index_cast %parallel_loop3A_319 : i32 to index
      %parallel_loop3A_359 = tpu.vector_load %arg11[%parallel_loop3A_357, %parallel_loop3A_358] {strides = array<i32>} : memref<8x2048xf32, #tpu.memory_space<vmem>>, vector<16xf32>,
      %parallel_loop3A_360 = arith.constant 7 : i32
      %parallel_loop3A_361 = arith.index_cast %parallel_loop3A_360 : i32 to index
      %parallel_loop3A_362 = arith.index_cast %parallel_loop3A_319 : i32 to index
      %parallel_loop3A_363 = tpu.vector_load %arg11[%parallel_loop3A_361, %parallel_loop3A_362] {strides = array<i32>} : memref<8x2048xf32, #tpu.memory_space<vmem>>, vector<16xf32>,
      %parallel_loop3A_364 = arith.constant 0 : i32
      %parallel_loop3A_365 = vector.broadcast %parallel_loop3A_364 : i32 to vector<16xi32>
      %parallel_loop3A_366 = arith.addi %parallel_loop3A_331, %parallel_loop3A_365 : vector<16xi32>
      %parallel_loop3A_367 = tpu.vector_load_idx %arg8[%parallel_loop3A_366] : memref<12288xf32, #tpu.memory_space<vmem>>[vector<16xi32>], vector<16xf32>,
      %parallel_loop3A_368 = arith.constant 1024 : i32
      %parallel_loop3A_369 = vector.broadcast %parallel_loop3A_368 : i32 to vector<16xi32>
      %parallel_loop3A_370 = arith.addi %parallel_loop3A_331, %parallel_loop3A_369 : vector<16xi32>
      %parallel_loop3A_371 = tpu.vector_load_idx %arg8[%parallel_loop3A_370] : memref<12288xf32, #tpu.memory_space<vmem>>[vector<16xi32>], vector<16xf32>,
      %parallel_loop3A_372 = arith.constant 2048 : i32
      %parallel_loop3A_373 = vector.broadcast %parallel_loop3A_372 : i32 to vector<16xi32>
      %parallel_loop3A_374 = arith.addi %parallel_loop3A_331, %parallel_loop3A_373 : vector<16xi32>
      %parallel_loop3A_375 = tpu.vector_load_idx %arg8[%parallel_loop3A_374] : memref<12288xf32, #tpu.memory_space<vmem>>[vector<16xi32>], vector<16xf32>,
      %parallel_loop3A_376 = arith.constant 3072 : i32
      %parallel_loop3A_377 = vector.broadcast %parallel_loop3A_376 : i32 to vector<16xi32>
      %parallel_loop3A_378 = arith.addi %parallel_loop3A_331, %parallel_loop3A_377 : vector<16xi32>
      %parallel_loop3A_379 = tpu.vector_load_idx %arg8[%parallel_loop3A_378] : memref<12288xf32, #tpu.memory_space<vmem>>[vector<16xi32>], vector<16xf32>,
      %parallel_loop3A_380 = arith.constant 4096 : i32
      %parallel_loop3A_381 = vector.broadcast %parallel_loop3A_380 : i32 to vector<16xi32>
      %parallel_loop3A_382 = arith.addi %parallel_loop3A_331, %parallel_loop3A_381 : vector<16xi32>
      %parallel_loop3A_383 = tpu.vector_load_idx %arg8[%parallel_loop3A_382] : memref<12288xf32, #tpu.memory_space<vmem>>[vector<16xi32>], vector<16xf32>,
      %parallel_loop3A_384 = arith.constant 5120 : i32
      %parallel_loop3A_385 = vector.broadcast %parallel_loop3A_384 : i32 to vector<16xi32>
      %parallel_loop3A_386 = arith.addi %parallel_loop3A_331, %parallel_loop3A_385 : vector<16xi32>
      %parallel_loop3A_387 = tpu.vector_load_idx %arg8[%parallel_loop3A_386] : memref<12288xf32, #tpu.memory_space<vmem>>[vector<16xi32>], vector<16xf32>,
      %parallel_loop3A_388 = arith.constant 6144 : i32
      %parallel_loop3A_389 = vector.broadcast %parallel_loop3A_388 : i32 to vector<16xi32>
      %parallel_loop3A_390 = arith.addi %parallel_loop3A_331, %parallel_loop3A_389 : vector<16xi32>
      %parallel_loop3A_391 = tpu.vector_load_idx %arg8[%parallel_loop3A_390] : memref<12288xf32, #tpu.memory_space<vmem>>[vector<16xi32>], vector<16xf32>,
      %parallel_loop3A_392 = arith.constant 7168 : i32
      %parallel_loop3A_393 = vector.broadcast %parallel_loop3A_392 : i32 to vector<16xi32>
      %parallel_loop3A_394 = arith.addi %parallel_loop3A_331, %parallel_loop3A_393 : vector<16xi32>
      %parallel_loop3A_395 = tpu.vector_load_idx %arg8[%parallel_loop3A_394] : memref<12288xf32, #tpu.memory_space<vmem>>[vector<16xi32>], vector<16xf32>,
      %parallel_loop3A_396 = arith.constant 8192 : i32
      %parallel_loop3A_397 = vector.broadcast %parallel_loop3A_396 : i32 to vector<16xi32>
      %parallel_loop3A_398 = arith.addi %parallel_loop3A_331, %parallel_loop3A_397 : vector<16xi32>
      %parallel_loop3A_399 = tpu.vector_load_idx %arg8[%parallel_loop3A_398] : memref<12288xf32, #tpu.memory_space<vmem>>[vector<16xi32>], vector<16xf32>,
      %parallel_loop3A_400 = arith.constant 9216 : i32
      %parallel_loop3A_401 = vector.broadcast %parallel_loop3A_400 : i32 to vector<16xi32>
      %parallel_loop3A_402 = arith.addi %parallel_loop3A_331, %parallel_loop3A_401 : vector<16xi32>
      %parallel_loop3A_403 = tpu.vector_load_idx %arg8[%parallel_loop3A_402] : memref<12288xf32, #tpu.memory_space<vmem>>[vector<16xi32>], vector<16xf32>,
      %parallel_loop3A_404 = arith.constant 10240 : i32
      %parallel_loop3A_405 = vector.broadcast %parallel_loop3A_404 : i32 to vector<16xi32>
      %parallel_loop3A_406 = arith.addi %parallel_loop3A_331, %parallel_loop3A_405 : vector<16xi32>
      %parallel_loop3A_407 = tpu.vector_load_idx %arg8[%parallel_loop3A_406] : memref<12288xf32, #tpu.memory_space<vmem>>[vector<16xi32>], vector<16xf32>,
      %parallel_loop3A_408 = arith.constant 11264 : i32
      %parallel_loop3A_409 = vector.broadcast %parallel_loop3A_408 : i32 to vector<16xi32>
      %parallel_loop3A_410 = arith.addi %parallel_loop3A_331, %parallel_loop3A_409 : vector<16xi32>
      %parallel_loop3A_411 = tpu.vector_load_idx %arg8[%parallel_loop3A_410] : memref<12288xf32, #tpu.memory_space<vmem>>[vector<16xi32>], vector<16xf32>,
      %parallel_loop3A_412 = arith.addf %parallel_loop3A_335, %parallel_loop3A_403 : vector<16xf32>
      %parallel_loop3A_413 = arith.addf %parallel_loop3A_339, %parallel_loop3A_407 : vector<16xf32>
      %parallel_loop3A_414 = arith.addf %parallel_loop3A_343, %parallel_loop3A_411 : vector<16xf32>
      %parallel_loop3A_415 = arith.mulf %parallel_loop3A_367, %parallel_loop3A_347 : vector<16xf32>
      %parallel_loop3A_416 = arith.mulf %parallel_loop3A_371, %parallel_loop3A_351 : vector<16xf32>
      %parallel_loop3A_417 = arith.addf %parallel_loop3A_415, %parallel_loop3A_416 : vector<16xf32>
      %parallel_loop3A_418 = arith.mulf %parallel_loop3A_375, %parallel_loop3A_355 : vector<16xf32>
      %parallel_loop3A_419 = arith.addf %parallel_loop3A_417, %parallel_loop3A_418 : vector<16xf32>
      %parallel_loop3A_420 = arith.mulf %parallel_loop3A_379, %parallel_loop3A_347 : vector<16xf32>
      %parallel_loop3A_421 = arith.mulf %parallel_loop3A_383, %parallel_loop3A_351 : vector<16xf32>
      %parallel_loop3A_422 = arith.addf %parallel_loop3A_420, %parallel_loop3A_421 : vector<16xf32>
      %parallel_loop3A_423 = arith.mulf %parallel_loop3A_387, %parallel_loop3A_355 : vector<16xf32>
      %parallel_loop3A_424 = arith.addf %parallel_loop3A_422, %parallel_loop3A_423 : vector<16xf32>
      %parallel_loop3A_425 = arith.mulf %parallel_loop3A_391, %parallel_loop3A_347 : vector<16xf32>
      %parallel_loop3A_426 = arith.mulf %parallel_loop3A_395, %parallel_loop3A_351 : vector<16xf32>
      %parallel_loop3A_427 = arith.addf %parallel_loop3A_425, %parallel_loop3A_426 : vector<16xf32>
      %parallel_loop3A_428 = arith.mulf %parallel_loop3A_399, %parallel_loop3A_355 : vector<16xf32>
      %parallel_loop3A_429 = arith.addf %parallel_loop3A_427, %parallel_loop3A_428 : vector<16xf32>
      %parallel_loop3A_430 = arith.constant 0 : i32
      %parallel_loop3A_431 = arith.index_cast %parallel_loop3A_430 : i32 to index
      %parallel_loop3A_432 = arith.index_cast %parallel_loop3A_319 : i32 to index
      %parallel_loop3A_433 = tpu.vector_load %arg12[%parallel_loop3A_431, %parallel_loop3A_432] {strides = array<i32>} : memref<8x2048xf32, #tpu.memory_space<vmem>>, vector<16xf32>,
      tpu.vector_store %arg12[%parallel_loop3A_431, %parallel_loop3A_432], %parallel_loop3A_412 {strides = array<i32>} : memref<8x2048xf32, #tpu.memory_space<vmem>>, vector<16xf32>,
      %parallel_loop3A_434 = arith.constant 1 : i32
      %parallel_loop3A_435 = arith.index_cast %parallel_loop3A_434 : i32 to index
      %parallel_loop3A_436 = arith.index_cast %parallel_loop3A_319 : i32 to index
      %parallel_loop3A_437 = tpu.vector_load %arg12[%parallel_loop3A_435, %parallel_loop3A_436] {strides = array<i32>} : memref<8x2048xf32, #tpu.memory_space<vmem>>, vector<16xf32>,
      tpu.vector_store %arg12[%parallel_loop3A_435, %parallel_loop3A_436], %parallel_loop3A_413 {strides = array<i32>} : memref<8x2048xf32, #tpu.memory_space<vmem>>, vector<16xf32>,
      %parallel_loop3A_438 = arith.constant 2 : i32
      %parallel_loop3A_439 = arith.index_cast %parallel_loop3A_438 : i32 to index
      %parallel_loop3A_440 = arith.index_cast %parallel_loop3A_319 : i32 to index
      %parallel_loop3A_441 = tpu.vector_load %arg12[%parallel_loop3A_439, %parallel_loop3A_440] {strides = array<i32>} : memref<8x2048xf32, #tpu.memory_space<vmem>>, vector<16xf32>,
      tpu.vector_store %arg12[%parallel_loop3A_439, %parallel_loop3A_440], %parallel_loop3A_414 {strides = array<i32>} : memref<8x2048xf32, #tpu.memory_space<vmem>>, vector<16xf32>,
      %parallel_loop3A_442 = arith.constant 3 : i32
      %parallel_loop3A_443 = arith.index_cast %parallel_loop3A_442 : i32 to index
      %parallel_loop3A_444 = arith.index_cast %parallel_loop3A_319 : i32 to index
      %parallel_loop3A_445 = tpu.vector_load %arg12[%parallel_loop3A_443, %parallel_loop3A_444] {strides = array<i32>} : memref<8x2048xf32, #tpu.memory_space<vmem>>, vector<16xf32>,
      tpu.vector_store %arg12[%parallel_loop3A_443, %parallel_loop3A_444], %parallel_loop3A_419 {strides = array<i32>} : memref<8x2048xf32, #tpu.memory_space<vmem>>, vector<16xf32>,
      %parallel_loop3A_446 = arith.constant 4 : i32
      %parallel_loop3A_447 = arith.index_cast %parallel_loop3A_446 : i32 to index
      %parallel_loop3A_448 = arith.index_cast %parallel_loop3A_319 : i32 to index
      %parallel_loop3A_449 = tpu.vector_load %arg12[%parallel_loop3A_447, %parallel_loop3A_448] {strides = array<i32>} : memref<8x2048xf32, #tpu.memory_space<vmem>>, vector<16xf32>,
      tpu.vector_store %arg12[%parallel_loop3A_447, %parallel_loop3A_448], %parallel_loop3A_424 {strides = array<i32>} : memref<8x2048xf32, #tpu.memory_space<vmem>>, vector<16xf32>,
      %parallel_loop3A_450 = arith.constant 5 : i32
      %parallel_loop3A_451 = arith.index_cast %parallel_loop3A_450 : i32 to index
      %parallel_loop3A_452 = arith.index_cast %parallel_loop3A_319 : i32 to index
      %parallel_loop3A_453 = tpu.vector_load %arg12[%parallel_loop3A_451, %parallel_loop3A_452] {strides = array<i32>} : memref<8x2048xf32, #tpu.memory_space<vmem>>, vector<16xf32>,
      tpu.vector_store %arg12[%parallel_loop3A_451, %parallel_loop3A_452], %parallel_loop3A_429 {strides = array<i32>} : memref<8x2048xf32, #tpu.memory_space<vmem>>, vector<16xf32>,
      %parallel_loop3A_454 = arith.constant 6 : i32
      %parallel_loop3A_455 = arith.index_cast %parallel_loop3A_454 : i32 to index
      %parallel_loop3A_456 = arith.index_cast %parallel_loop3A_319 : i32 to index
      %parallel_loop3A_457 = tpu.vector_load %arg12[%parallel_loop3A_455, %parallel_loop3A_456] {strides = array<i32>} : memref<8x2048xf32, #tpu.memory_space<vmem>>, vector<16xf32>,
      tpu.vector_store %arg12[%parallel_loop3A_455, %parallel_loop3A_456], %parallel_loop3A_359 {strides = array<i32>} : memref<8x2048xf32, #tpu.memory_space<vmem>>, vector<16xf32>,
      %parallel_loop3A_458 = arith.constant 7 : i32
      %parallel_loop3A_459 = arith.index_cast %parallel_loop3A_458 : i32 to index
      %parallel_loop3A_460 = arith.index_cast %parallel_loop3A_319 : i32 to index
      %parallel_loop3A_461 = tpu.vector_load %arg12[%parallel_loop3A_459, %parallel_loop3A_460] {strides = array<i32>} : memref<8x2048xf32, #tpu.memory_space<vmem>>, vector<16xf32>,
      tpu.vector_store %arg12[%parallel_loop3A_459, %parallel_loop3A_460], %parallel_loop3A_363 {strides = array<i32>} : memref<8x2048xf32, #tpu.memory_space<vmem>>, vector<16xf32>,
    } {sc.loop_unroll_factor = 1 : i64, sc.parallel_access}
    %add3A_205 = arith.constant 512 : i32
    %add3A_206 = arith.addi %mul3A_2, %add3A_205 : i32
    %dma_start3A_207 = arith.constant 0 : i32
    %dma_start3A_208 = arith.constant 512 : i32
    %dma_start3A_209 = tpu.memref_slice %arg12[%dma_start3A_207, %dma_start3A_208] : memref<8x2048xf32, #tpu.memory_space<vmem>> -> memref<8x512xf32, #tpu.memory_space<vmem>>
    %dma_start3A_210 = arith.constant 0 : i32
    %dma_start3A_211 = tpu.memref_slice %arg6[%dma_start3A_210, %add3A_206] : memref<8x65536xf32, #tpu.memory_space<hbm>> -> memref<8x512xf32, #tpu.memory_space<hbm>>
    %dma_start3A_212 = arith.constant 0 : i32
    %dma_start3A_213 = tpu.memref_slice %arg6[%dma_start3A_212, %add3A_206] : memref<8x65536xf32, #tpu.memory_space<hbm>> -> memref<8x512xf32, #tpu.memory_space<hbm>>
    %dma_start3A_214 = arith.constant 0 : i32
    %dma_start3A_215 = arith.constant 512 : i32
    %dma_start3A_216 = tpu.memref_slice %arg12[%dma_start3A_214, %dma_start3A_215] : memref<8x2048xf32, #tpu.memory_space<vmem>> -> memref<8x512xf32, #tpu.memory_space<vmem>>
    tpu.enqueue_dma source(%dma_start3A_216 : memref<8x512xf32, #tpu.memory_space<vmem>>) target(%dma_start3A_213 : memref<8x512xf32, #tpu.memory_space<hbm>>) target_semaphore(%arg18 : memref<!tpu.dma_semaphore, #tpu.memory_space<semaphore_mem>>)
    %dma_wait3A_217 = arith.constant 1024 : i32
    %dma_wait3A_218 = tpu.memref_slice %arg9[%dma_wait3A_217] : memref<2048xi32, #tpu.memory_space<vmem>> -> memref<512xi32, #tpu.memory_space<vmem>>
    %dma_wait3A_219 = tpu.memref_slice %arg3[%add3A_69] : memref<65536xi32, #tpu.memory_space<hbm>> -> memref<512xi32, #tpu.memory_space<hbm>>
    %dma_wait3A_220 = arith.constant 1024 : i32
    %dma_wait3A_221 = tpu.memref_slice %arg9[%dma_wait3A_220] : memref<2048xi32, #tpu.memory_space<vmem>> -> memref<512xi32, #tpu.memory_space<vmem>>
    %dma_wait3A_222 = tpu.memref_slice %arg3[%add3A_69] : memref<65536xi32, #tpu.memory_space<hbm>> -> memref<512xi32, #tpu.memory_space<hbm>>
    tpu.wait_dma2 semaphore(%arg16 : memref<!tpu.dma_semaphore, #tpu.memory_space<semaphore_mem>>) src(%dma_wait3A_222 : memref<512xi32, #tpu.memory_space<hbm>>) dst(%dma_wait3A_221 : memref<512xi32, #tpu.memory_space<vmem>>)
    %dma_wait3A_223 = arith.constant 0 : i32
    %dma_wait3A_224 = arith.constant 1024 : i32
    %dma_wait3A_225 = tpu.memref_slice %arg10[%dma_wait3A_223, %dma_wait3A_224] : memref<1x2048xi32, #tpu.memory_space<vmem>> -> memref<1x512xi32, #tpu.memory_space<vmem>>
    %dma_wait3A_226 = arith.constant 0 : i32
    %dma_wait3A_227 = tpu.memref_slice %arg4[%dma_wait3A_226, %add3A_77] : memref<1x65536xi32, #tpu.memory_space<hbm>> -> memref<1x512xi32, #tpu.memory_space<hbm>>
    %dma_wait3A_228 = arith.constant 0 : i32
    %dma_wait3A_229 = arith.constant 1024 : i32
    %dma_wait3A_230 = tpu.memref_slice %arg10[%dma_wait3A_228, %dma_wait3A_229] : memref<1x2048xi32, #tpu.memory_space<vmem>> -> memref<1x512xi32, #tpu.memory_space<vmem>>
    %dma_wait3A_231 = arith.constant 0 : i32
    %dma_wait3A_232 = tpu.memref_slice %arg4[%dma_wait3A_231, %add3A_77] : memref<1x65536xi32, #tpu.memory_space<hbm>> -> memref<1x512xi32, #tpu.memory_space<hbm>>
    tpu.wait_dma2 semaphore(%arg16 : memref<!tpu.dma_semaphore, #tpu.memory_space<semaphore_mem>>) src(%dma_wait3A_232 : memref<1x512xi32, #tpu.memory_space<hbm>>) dst(%dma_wait3A_230 : memref<1x512xi32, #tpu.memory_space<vmem>>)
    %dma_wait3A_233 = arith.constant 0 : i32
    %dma_wait3A_234 = arith.constant 1024 : i32
    %dma_wait3A_235 = tpu.memref_slice %arg11[%dma_wait3A_233, %dma_wait3A_234] : memref<8x2048xf32, #tpu.memory_space<vmem>> -> memref<8x512xf32, #tpu.memory_space<vmem>>
    %dma_wait3A_236 = arith.constant 0 : i32
    %dma_wait3A_237 = tpu.memref_slice %arg5[%dma_wait3A_236, %add3A_89] : memref<8x65536xf32, #tpu.memory_space<hbm>> -> memref<8x512xf32, #tpu.memory_space<hbm>>
    %dma_wait3A_238 = arith.constant 0 : i32
    %dma_wait3A_239 = arith.constant 1024 : i32
    %dma_wait3A_240 = tpu.memref_slice %arg11[%dma_wait3A_238, %dma_wait3A_239] : memref<8x2048xf32, #tpu.memory_space<vmem>> -> memref<8x512xf32, #tpu.memory_space<vmem>>
    %dma_wait3A_241 = arith.constant 0 : i32
    %dma_wait3A_242 = tpu.memref_slice %arg5[%dma_wait3A_241, %add3A_89] : memref<8x65536xf32, #tpu.memory_space<hbm>> -> memref<8x512xf32, #tpu.memory_space<hbm>>
    tpu.wait_dma2 semaphore(%arg16 : memref<!tpu.dma_semaphore, #tpu.memory_space<semaphore_mem>>) src(%dma_wait3A_242 : memref<8x512xf32, #tpu.memory_space<hbm>>) dst(%dma_wait3A_240 : memref<8x512xf32, #tpu.memory_space<vmem>>)
    %parallel_loop3A_243 = arith.constant 1024 : i32
    %parallel_loop3A_244 = arith.constant 1536 : i32
    %parallel_loop3A_245 = arith.constant 16 : i32
    scf.for %parallel_loop3A_319 = %parallel_loop3A_243 to %parallel_loop3A_244 step %parallel_loop3A_245  : i32 {
      %parallel_loop3A_320 = arith.index_cast %parallel_loop3A_319 : i32 to index
      %parallel_loop3A_321 = tpu.vector_load %arg9[%parallel_loop3A_320] {strides = array<i32>} : memref<2048xi32, #tpu.memory_space<vmem>>, vector<16xi32>,
      %parallel_loop3A_322 = arith.constant 0 : i32
      %parallel_loop3A_323 = arith.index_cast %parallel_loop3A_322 : i32 to index
      %parallel_loop3A_324 = arith.index_cast %parallel_loop3A_319 : i32 to index
      %parallel_loop3A_325 = tpu.vector_load %arg10[%parallel_loop3A_323, %parallel_loop3A_324] {strides = array<i32>} : memref<1x2048xi32, #tpu.memory_space<vmem>>, vector<16xi32>,
      %parallel_loop3A_326 = arith.constant 1 : i32
      %parallel_loop3A_327 = vector.broadcast %parallel_loop3A_326 : i32 to vector<16xi32>
      %parallel_loop3A_328 = arith.cmpi eq, %parallel_loop3A_325, %parallel_loop3A_327 : vector<16xi32>
      %parallel_loop3A_329 = arith.constant 1016 : i32
      %parallel_loop3A_330 = vector.broadcast %parallel_loop3A_329 : i32 to vector<16xi32>
      %parallel_loop3A_331 = arith.select %parallel_loop3A_328, %parallel_loop3A_321, %parallel_loop3A_330 : vector<16xi1>, vector<16xi32>
      %parallel_loop3A_332 = arith.constant 0 : i32
      %parallel_loop3A_333 = arith.index_cast %parallel_loop3A_332 : i32 to index
      %parallel_loop3A_334 = arith.index_cast %parallel_loop3A_319 : i32 to index
      %parallel_loop3A_335 = tpu.vector_load %arg11[%parallel_loop3A_333, %parallel_loop3A_334] {strides = array<i32>} : memref<8x2048xf32, #tpu.memory_space<vmem>>, vector<16xf32>,
      %parallel_loop3A_336 = arith.constant 1 : i32
      %parallel_loop3A_337 = arith.index_cast %parallel_loop3A_336 : i32 to index
      %parallel_loop3A_338 = arith.index_cast %parallel_loop3A_319 : i32 to index
      %parallel_loop3A_339 = tpu.vector_load %arg11[%parallel_loop3A_337, %parallel_loop3A_338] {strides = array<i32>} : memref<8x2048xf32, #tpu.memory_space<vmem>>, vector<16xf32>,
      %parallel_loop3A_340 = arith.constant 2 : i32
      %parallel_loop3A_341 = arith.index_cast %parallel_loop3A_340 : i32 to index
      %parallel_loop3A_342 = arith.index_cast %parallel_loop3A_319 : i32 to index
      %parallel_loop3A_343 = tpu.vector_load %arg11[%parallel_loop3A_341, %parallel_loop3A_342] {strides = array<i32>} : memref<8x2048xf32, #tpu.memory_space<vmem>>, vector<16xf32>,
      %parallel_loop3A_344 = arith.constant 3 : i32
      %parallel_loop3A_345 = arith.index_cast %parallel_loop3A_344 : i32 to index
      %parallel_loop3A_346 = arith.index_cast %parallel_loop3A_319 : i32 to index
      %parallel_loop3A_347 = tpu.vector_load %arg11[%parallel_loop3A_345, %parallel_loop3A_346] {strides = array<i32>} : memref<8x2048xf32, #tpu.memory_space<vmem>>, vector<16xf32>,
      %parallel_loop3A_348 = arith.constant 4 : i32
      %parallel_loop3A_349 = arith.index_cast %parallel_loop3A_348 : i32 to index
      %parallel_loop3A_350 = arith.index_cast %parallel_loop3A_319 : i32 to index
      %parallel_loop3A_351 = tpu.vector_load %arg11[%parallel_loop3A_349, %parallel_loop3A_350] {strides = array<i32>} : memref<8x2048xf32, #tpu.memory_space<vmem>>, vector<16xf32>,
      %parallel_loop3A_352 = arith.constant 5 : i32
      %parallel_loop3A_353 = arith.index_cast %parallel_loop3A_352 : i32 to index
      %parallel_loop3A_354 = arith.index_cast %parallel_loop3A_319 : i32 to index
      %parallel_loop3A_355 = tpu.vector_load %arg11[%parallel_loop3A_353, %parallel_loop3A_354] {strides = array<i32>} : memref<8x2048xf32, #tpu.memory_space<vmem>>, vector<16xf32>,
      %parallel_loop3A_356 = arith.constant 6 : i32
      %parallel_loop3A_357 = arith.index_cast %parallel_loop3A_356 : i32 to index
      %parallel_loop3A_358 = arith.index_cast %parallel_loop3A_319 : i32 to index
      %parallel_loop3A_359 = tpu.vector_load %arg11[%parallel_loop3A_357, %parallel_loop3A_358] {strides = array<i32>} : memref<8x2048xf32, #tpu.memory_space<vmem>>, vector<16xf32>,
      %parallel_loop3A_360 = arith.constant 7 : i32
      %parallel_loop3A_361 = arith.index_cast %parallel_loop3A_360 : i32 to index
      %parallel_loop3A_362 = arith.index_cast %parallel_loop3A_319 : i32 to index
      %parallel_loop3A_363 = tpu.vector_load %arg11[%parallel_loop3A_361, %parallel_loop3A_362] {strides = array<i32>} : memref<8x2048xf32, #tpu.memory_space<vmem>>, vector<16xf32>,
      %parallel_loop3A_364 = arith.constant 0 : i32
      %parallel_loop3A_365 = vector.broadcast %parallel_loop3A_364 : i32 to vector<16xi32>
      %parallel_loop3A_366 = arith.addi %parallel_loop3A_331, %parallel_loop3A_365 : vector<16xi32>
      %parallel_loop3A_367 = tpu.vector_load_idx %arg8[%parallel_loop3A_366] : memref<12288xf32, #tpu.memory_space<vmem>>[vector<16xi32>], vector<16xf32>,
      %parallel_loop3A_368 = arith.constant 1024 : i32
      %parallel_loop3A_369 = vector.broadcast %parallel_loop3A_368 : i32 to vector<16xi32>
      %parallel_loop3A_370 = arith.addi %parallel_loop3A_331, %parallel_loop3A_369 : vector<16xi32>
      %parallel_loop3A_371 = tpu.vector_load_idx %arg8[%parallel_loop3A_370] : memref<12288xf32, #tpu.memory_space<vmem>>[vector<16xi32>], vector<16xf32>,
      %parallel_loop3A_372 = arith.constant 2048 : i32
      %parallel_loop3A_373 = vector.broadcast %parallel_loop3A_372 : i32 to vector<16xi32>
      %parallel_loop3A_374 = arith.addi %parallel_loop3A_331, %parallel_loop3A_373 : vector<16xi32>
      %parallel_loop3A_375 = tpu.vector_load_idx %arg8[%parallel_loop3A_374] : memref<12288xf32, #tpu.memory_space<vmem>>[vector<16xi32>], vector<16xf32>,
      %parallel_loop3A_376 = arith.constant 3072 : i32
      %parallel_loop3A_377 = vector.broadcast %parallel_loop3A_376 : i32 to vector<16xi32>
      %parallel_loop3A_378 = arith.addi %parallel_loop3A_331, %parallel_loop3A_377 : vector<16xi32>
      %parallel_loop3A_379 = tpu.vector_load_idx %arg8[%parallel_loop3A_378] : memref<12288xf32, #tpu.memory_space<vmem>>[vector<16xi32>], vector<16xf32>,
      %parallel_loop3A_380 = arith.constant 4096 : i32
      %parallel_loop3A_381 = vector.broadcast %parallel_loop3A_380 : i32 to vector<16xi32>
      %parallel_loop3A_382 = arith.addi %parallel_loop3A_331, %parallel_loop3A_381 : vector<16xi32>
      %parallel_loop3A_383 = tpu.vector_load_idx %arg8[%parallel_loop3A_382] : memref<12288xf32, #tpu.memory_space<vmem>>[vector<16xi32>], vector<16xf32>,
      %parallel_loop3A_384 = arith.constant 5120 : i32
      %parallel_loop3A_385 = vector.broadcast %parallel_loop3A_384 : i32 to vector<16xi32>
      %parallel_loop3A_386 = arith.addi %parallel_loop3A_331, %parallel_loop3A_385 : vector<16xi32>
      %parallel_loop3A_387 = tpu.vector_load_idx %arg8[%parallel_loop3A_386] : memref<12288xf32, #tpu.memory_space<vmem>>[vector<16xi32>], vector<16xf32>,
      %parallel_loop3A_388 = arith.constant 6144 : i32
      %parallel_loop3A_389 = vector.broadcast %parallel_loop3A_388 : i32 to vector<16xi32>
      %parallel_loop3A_390 = arith.addi %parallel_loop3A_331, %parallel_loop3A_389 : vector<16xi32>
      %parallel_loop3A_391 = tpu.vector_load_idx %arg8[%parallel_loop3A_390] : memref<12288xf32, #tpu.memory_space<vmem>>[vector<16xi32>], vector<16xf32>,
      %parallel_loop3A_392 = arith.constant 7168 : i32
      %parallel_loop3A_393 = vector.broadcast %parallel_loop3A_392 : i32 to vector<16xi32>
      %parallel_loop3A_394 = arith.addi %parallel_loop3A_331, %parallel_loop3A_393 : vector<16xi32>
      %parallel_loop3A_395 = tpu.vector_load_idx %arg8[%parallel_loop3A_394] : memref<12288xf32, #tpu.memory_space<vmem>>[vector<16xi32>], vector<16xf32>,
      %parallel_loop3A_396 = arith.constant 8192 : i32
      %parallel_loop3A_397 = vector.broadcast %parallel_loop3A_396 : i32 to vector<16xi32>
      %parallel_loop3A_398 = arith.addi %parallel_loop3A_331, %parallel_loop3A_397 : vector<16xi32>
      %parallel_loop3A_399 = tpu.vector_load_idx %arg8[%parallel_loop3A_398] : memref<12288xf32, #tpu.memory_space<vmem>>[vector<16xi32>], vector<16xf32>,
      %parallel_loop3A_400 = arith.constant 9216 : i32
      %parallel_loop3A_401 = vector.broadcast %parallel_loop3A_400 : i32 to vector<16xi32>
      %parallel_loop3A_402 = arith.addi %parallel_loop3A_331, %parallel_loop3A_401 : vector<16xi32>
      %parallel_loop3A_403 = tpu.vector_load_idx %arg8[%parallel_loop3A_402] : memref<12288xf32, #tpu.memory_space<vmem>>[vector<16xi32>], vector<16xf32>,
      %parallel_loop3A_404 = arith.constant 10240 : i32
      %parallel_loop3A_405 = vector.broadcast %parallel_loop3A_404 : i32 to vector<16xi32>
      %parallel_loop3A_406 = arith.addi %parallel_loop3A_331, %parallel_loop3A_405 : vector<16xi32>
      %parallel_loop3A_407 = tpu.vector_load_idx %arg8[%parallel_loop3A_406] : memref<12288xf32, #tpu.memory_space<vmem>>[vector<16xi32>], vector<16xf32>,
      %parallel_loop3A_408 = arith.constant 11264 : i32
      %parallel_loop3A_409 = vector.broadcast %parallel_loop3A_408 : i32 to vector<16xi32>
      %parallel_loop3A_410 = arith.addi %parallel_loop3A_331, %parallel_loop3A_409 : vector<16xi32>
      %parallel_loop3A_411 = tpu.vector_load_idx %arg8[%parallel_loop3A_410] : memref<12288xf32, #tpu.memory_space<vmem>>[vector<16xi32>], vector<16xf32>,
      %parallel_loop3A_412 = arith.addf %parallel_loop3A_335, %parallel_loop3A_403 : vector<16xf32>
      %parallel_loop3A_413 = arith.addf %parallel_loop3A_339, %parallel_loop3A_407 : vector<16xf32>
      %parallel_loop3A_414 = arith.addf %parallel_loop3A_343, %parallel_loop3A_411 : vector<16xf32>
      %parallel_loop3A_415 = arith.mulf %parallel_loop3A_367, %parallel_loop3A_347 : vector<16xf32>
      %parallel_loop3A_416 = arith.mulf %parallel_loop3A_371, %parallel_loop3A_351 : vector<16xf32>
      %parallel_loop3A_417 = arith.addf %parallel_loop3A_415, %parallel_loop3A_416 : vector<16xf32>
      %parallel_loop3A_418 = arith.mulf %parallel_loop3A_375, %parallel_loop3A_355 : vector<16xf32>
      %parallel_loop3A_419 = arith.addf %parallel_loop3A_417, %parallel_loop3A_418 : vector<16xf32>
      %parallel_loop3A_420 = arith.mulf %parallel_loop3A_379, %parallel_loop3A_347 : vector<16xf32>
      %parallel_loop3A_421 = arith.mulf %parallel_loop3A_383, %parallel_loop3A_351 : vector<16xf32>
      %parallel_loop3A_422 = arith.addf %parallel_loop3A_420, %parallel_loop3A_421 : vector<16xf32>
      %parallel_loop3A_423 = arith.mulf %parallel_loop3A_387, %parallel_loop3A_355 : vector<16xf32>
      %parallel_loop3A_424 = arith.addf %parallel_loop3A_422, %parallel_loop3A_423 : vector<16xf32>
      %parallel_loop3A_425 = arith.mulf %parallel_loop3A_391, %parallel_loop3A_347 : vector<16xf32>
      %parallel_loop3A_426 = arith.mulf %parallel_loop3A_395, %parallel_loop3A_351 : vector<16xf32>
      %parallel_loop3A_427 = arith.addf %parallel_loop3A_425, %parallel_loop3A_426 : vector<16xf32>
      %parallel_loop3A_428 = arith.mulf %parallel_loop3A_399, %parallel_loop3A_355 : vector<16xf32>
      %parallel_loop3A_429 = arith.addf %parallel_loop3A_427, %parallel_loop3A_428 : vector<16xf32>
      %parallel_loop3A_430 = arith.constant 0 : i32
      %parallel_loop3A_431 = arith.index_cast %parallel_loop3A_430 : i32 to index
      %parallel_loop3A_432 = arith.index_cast %parallel_loop3A_319 : i32 to index
      %parallel_loop3A_433 = tpu.vector_load %arg12[%parallel_loop3A_431, %parallel_loop3A_432] {strides = array<i32>} : memref<8x2048xf32, #tpu.memory_space<vmem>>, vector<16xf32>,
      tpu.vector_store %arg12[%parallel_loop3A_431, %parallel_loop3A_432], %parallel_loop3A_412 {strides = array<i32>} : memref<8x2048xf32, #tpu.memory_space<vmem>>, vector<16xf32>,
      %parallel_loop3A_434 = arith.constant 1 : i32
      %parallel_loop3A_435 = arith.index_cast %parallel_loop3A_434 : i32 to index
      %parallel_loop3A_436 = arith.index_cast %parallel_loop3A_319 : i32 to index
      %parallel_loop3A_437 = tpu.vector_load %arg12[%parallel_loop3A_435, %parallel_loop3A_436] {strides = array<i32>} : memref<8x2048xf32, #tpu.memory_space<vmem>>, vector<16xf32>,
      tpu.vector_store %arg12[%parallel_loop3A_435, %parallel_loop3A_436], %parallel_loop3A_413 {strides = array<i32>} : memref<8x2048xf32, #tpu.memory_space<vmem>>, vector<16xf32>,
      %parallel_loop3A_438 = arith.constant 2 : i32
      %parallel_loop3A_439 = arith.index_cast %parallel_loop3A_438 : i32 to index
      %parallel_loop3A_440 = arith.index_cast %parallel_loop3A_319 : i32 to index
      %parallel_loop3A_441 = tpu.vector_load %arg12[%parallel_loop3A_439, %parallel_loop3A_440] {strides = array<i32>} : memref<8x2048xf32, #tpu.memory_space<vmem>>, vector<16xf32>,
      tpu.vector_store %arg12[%parallel_loop3A_439, %parallel_loop3A_440], %parallel_loop3A_414 {strides = array<i32>} : memref<8x2048xf32, #tpu.memory_space<vmem>>, vector<16xf32>,
      %parallel_loop3A_442 = arith.constant 3 : i32
      %parallel_loop3A_443 = arith.index_cast %parallel_loop3A_442 : i32 to index
      %parallel_loop3A_444 = arith.index_cast %parallel_loop3A_319 : i32 to index
      %parallel_loop3A_445 = tpu.vector_load %arg12[%parallel_loop3A_443, %parallel_loop3A_444] {strides = array<i32>} : memref<8x2048xf32, #tpu.memory_space<vmem>>, vector<16xf32>,
      tpu.vector_store %arg12[%parallel_loop3A_443, %parallel_loop3A_444], %parallel_loop3A_419 {strides = array<i32>} : memref<8x2048xf32, #tpu.memory_space<vmem>>, vector<16xf32>,
      %parallel_loop3A_446 = arith.constant 4 : i32
      %parallel_loop3A_447 = arith.index_cast %parallel_loop3A_446 : i32 to index
      %parallel_loop3A_448 = arith.index_cast %parallel_loop3A_319 : i32 to index
      %parallel_loop3A_449 = tpu.vector_load %arg12[%parallel_loop3A_447, %parallel_loop3A_448] {strides = array<i32>} : memref<8x2048xf32, #tpu.memory_space<vmem>>, vector<16xf32>,
      tpu.vector_store %arg12[%parallel_loop3A_447, %parallel_loop3A_448], %parallel_loop3A_424 {strides = array<i32>} : memref<8x2048xf32, #tpu.memory_space<vmem>>, vector<16xf32>,
      %parallel_loop3A_450 = arith.constant 5 : i32
      %parallel_loop3A_451 = arith.index_cast %parallel_loop3A_450 : i32 to index
      %parallel_loop3A_452 = arith.index_cast %parallel_loop3A_319 : i32 to index
      %parallel_loop3A_453 = tpu.vector_load %arg12[%parallel_loop3A_451, %parallel_loop3A_452] {strides = array<i32>} : memref<8x2048xf32, #tpu.memory_space<vmem>>, vector<16xf32>,
      tpu.vector_store %arg12[%parallel_loop3A_451, %parallel_loop3A_452], %parallel_loop3A_429 {strides = array<i32>} : memref<8x2048xf32, #tpu.memory_space<vmem>>, vector<16xf32>,
      %parallel_loop3A_454 = arith.constant 6 : i32
      %parallel_loop3A_455 = arith.index_cast %parallel_loop3A_454 : i32 to index
      %parallel_loop3A_456 = arith.index_cast %parallel_loop3A_319 : i32 to index
      %parallel_loop3A_457 = tpu.vector_load %arg12[%parallel_loop3A_455, %parallel_loop3A_456] {strides = array<i32>} : memref<8x2048xf32, #tpu.memory_space<vmem>>, vector<16xf32>,
      tpu.vector_store %arg12[%parallel_loop3A_455, %parallel_loop3A_456], %parallel_loop3A_359 {strides = array<i32>} : memref<8x2048xf32, #tpu.memory_space<vmem>>, vector<16xf32>,
      %parallel_loop3A_458 = arith.constant 7 : i32
      %parallel_loop3A_459 = arith.index_cast %parallel_loop3A_458 : i32 to index
      %parallel_loop3A_460 = arith.index_cast %parallel_loop3A_319 : i32 to index
      %parallel_loop3A_461 = tpu.vector_load %arg12[%parallel_loop3A_459, %parallel_loop3A_460] {strides = array<i32>} : memref<8x2048xf32, #tpu.memory_space<vmem>>, vector<16xf32>,
      tpu.vector_store %arg12[%parallel_loop3A_459, %parallel_loop3A_460], %parallel_loop3A_363 {strides = array<i32>} : memref<8x2048xf32, #tpu.memory_space<vmem>>, vector<16xf32>,
    } {sc.loop_unroll_factor = 1 : i64, sc.parallel_access}
    %add3A_246 = arith.constant 1024 : i32
    %add3A_247 = arith.addi %mul3A_2, %add3A_246 : i32
    %dma_start3A_248 = arith.constant 0 : i32
    %dma_start3A_249 = arith.constant 1024 : i32
    %dma_start3A_250 = tpu.memref_slice %arg12[%dma_start3A_248, %dma_start3A_249] : memref<8x2048xf32, #tpu.memory_space<vmem>> -> memref<8x512xf32, #tpu.memory_space<vmem>>
    %dma_start3A_251 = arith.constant 0 : i32
    %dma_start3A_252 = tpu.memref_slice %arg6[%dma_start3A_251, %add3A_247] : memref<8x65536xf32, #tpu.memory_space<hbm>> -> memref<8x512xf32, #tpu.memory_space<hbm>>
    %dma_start3A_253 = arith.constant 0 : i32
    %dma_start3A_254 = tpu.memref_slice %arg6[%dma_start3A_253, %add3A_247] : memref<8x65536xf32, #tpu.memory_space<hbm>> -> memref<8x512xf32, #tpu.memory_space<hbm>>
    %dma_start3A_255 = arith.constant 0 : i32
    %dma_start3A_256 = arith.constant 1024 : i32
    %dma_start3A_257 = tpu.memref_slice %arg12[%dma_start3A_255, %dma_start3A_256] : memref<8x2048xf32, #tpu.memory_space<vmem>> -> memref<8x512xf32, #tpu.memory_space<vmem>>
    tpu.enqueue_dma source(%dma_start3A_257 : memref<8x512xf32, #tpu.memory_space<vmem>>) target(%dma_start3A_254 : memref<8x512xf32, #tpu.memory_space<hbm>>) target_semaphore(%arg18 : memref<!tpu.dma_semaphore, #tpu.memory_space<semaphore_mem>>)
    %dma_wait3A_258 = arith.constant 1536 : i32
    %dma_wait3A_259 = tpu.memref_slice %arg9[%dma_wait3A_258] : memref<2048xi32, #tpu.memory_space<vmem>> -> memref<512xi32, #tpu.memory_space<vmem>>
    %dma_wait3A_260 = tpu.memref_slice %arg3[%add3A_101] : memref<65536xi32, #tpu.memory_space<hbm>> -> memref<512xi32, #tpu.memory_space<hbm>>
    %dma_wait3A_261 = arith.constant 1536 : i32
    %dma_wait3A_262 = tpu.memref_slice %arg9[%dma_wait3A_261] : memref<2048xi32, #tpu.memory_space<vmem>> -> memref<512xi32, #tpu.memory_space<vmem>>
    %dma_wait3A_263 = tpu.memref_slice %arg3[%add3A_101] : memref<65536xi32, #tpu.memory_space<hbm>> -> memref<512xi32, #tpu.memory_space<hbm>>
    tpu.wait_dma2 semaphore(%arg17 : memref<!tpu.dma_semaphore, #tpu.memory_space<semaphore_mem>>) src(%dma_wait3A_263 : memref<512xi32, #tpu.memory_space<hbm>>) dst(%dma_wait3A_262 : memref<512xi32, #tpu.memory_space<vmem>>)
    %dma_wait3A_264 = arith.constant 0 : i32
    %dma_wait3A_265 = arith.constant 1536 : i32
    %dma_wait3A_266 = tpu.memref_slice %arg10[%dma_wait3A_264, %dma_wait3A_265] : memref<1x2048xi32, #tpu.memory_space<vmem>> -> memref<1x512xi32, #tpu.memory_space<vmem>>
    %dma_wait3A_267 = arith.constant 0 : i32
    %dma_wait3A_268 = tpu.memref_slice %arg4[%dma_wait3A_267, %add3A_109] : memref<1x65536xi32, #tpu.memory_space<hbm>> -> memref<1x512xi32, #tpu.memory_space<hbm>>
    %dma_wait3A_269 = arith.constant 0 : i32
    %dma_wait3A_270 = arith.constant 1536 : i32
    %dma_wait3A_271 = tpu.memref_slice %arg10[%dma_wait3A_269, %dma_wait3A_270] : memref<1x2048xi32, #tpu.memory_space<vmem>> -> memref<1x512xi32, #tpu.memory_space<vmem>>
    %dma_wait3A_272 = arith.constant 0 : i32
    %dma_wait3A_273 = tpu.memref_slice %arg4[%dma_wait3A_272, %add3A_109] : memref<1x65536xi32, #tpu.memory_space<hbm>> -> memref<1x512xi32, #tpu.memory_space<hbm>>
    tpu.wait_dma2 semaphore(%arg17 : memref<!tpu.dma_semaphore, #tpu.memory_space<semaphore_mem>>) src(%dma_wait3A_273 : memref<1x512xi32, #tpu.memory_space<hbm>>) dst(%dma_wait3A_271 : memref<1x512xi32, #tpu.memory_space<vmem>>)
    %dma_wait3A_274 = arith.constant 0 : i32
    %dma_wait3A_275 = arith.constant 1536 : i32
    %dma_wait3A_276 = tpu.memref_slice %arg11[%dma_wait3A_274, %dma_wait3A_275] : memref<8x2048xf32, #tpu.memory_space<vmem>> -> memref<8x512xf32, #tpu.memory_space<vmem>>
    %dma_wait3A_277 = arith.constant 0 : i32
    %dma_wait3A_278 = tpu.memref_slice %arg5[%dma_wait3A_277, %add3A_121] : memref<8x65536xf32, #tpu.memory_space<hbm>> -> memref<8x512xf32, #tpu.memory_space<hbm>>
    %dma_wait3A_279 = arith.constant 0 : i32
    %dma_wait3A_280 = arith.constant 1536 : i32
    %dma_wait3A_281 = tpu.memref_slice %arg11[%dma_wait3A_279, %dma_wait3A_280] : memref<8x2048xf32, #tpu.memory_space<vmem>> -> memref<8x512xf32, #tpu.memory_space<vmem>>
    %dma_wait3A_282 = arith.constant 0 : i32
    %dma_wait3A_283 = tpu.memref_slice %arg5[%dma_wait3A_282, %add3A_121] : memref<8x65536xf32, #tpu.memory_space<hbm>> -> memref<8x512xf32, #tpu.memory_space<hbm>>
    tpu.wait_dma2 semaphore(%arg17 : memref<!tpu.dma_semaphore, #tpu.memory_space<semaphore_mem>>) src(%dma_wait3A_283 : memref<8x512xf32, #tpu.memory_space<hbm>>) dst(%dma_wait3A_281 : memref<8x512xf32, #tpu.memory_space<vmem>>)
    %parallel_loop3A_284 = arith.constant 1536 : i32
    %parallel_loop3A_285 = arith.constant 2048 : i32
    %parallel_loop3A_286 = arith.constant 16 : i32
    scf.for %parallel_loop3A_319 = %parallel_loop3A_284 to %parallel_loop3A_285 step %parallel_loop3A_286  : i32 {
      %parallel_loop3A_320 = arith.index_cast %parallel_loop3A_319 : i32 to index
      %parallel_loop3A_321 = tpu.vector_load %arg9[%parallel_loop3A_320] {strides = array<i32>} : memref<2048xi32, #tpu.memory_space<vmem>>, vector<16xi32>,
      %parallel_loop3A_322 = arith.constant 0 : i32
      %parallel_loop3A_323 = arith.index_cast %parallel_loop3A_322 : i32 to index
      %parallel_loop3A_324 = arith.index_cast %parallel_loop3A_319 : i32 to index
      %parallel_loop3A_325 = tpu.vector_load %arg10[%parallel_loop3A_323, %parallel_loop3A_324] {strides = array<i32>} : memref<1x2048xi32, #tpu.memory_space<vmem>>, vector<16xi32>,
      %parallel_loop3A_326 = arith.constant 1 : i32
      %parallel_loop3A_327 = vector.broadcast %parallel_loop3A_326 : i32 to vector<16xi32>
      %parallel_loop3A_328 = arith.cmpi eq, %parallel_loop3A_325, %parallel_loop3A_327 : vector<16xi32>
      %parallel_loop3A_329 = arith.constant 1016 : i32
      %parallel_loop3A_330 = vector.broadcast %parallel_loop3A_329 : i32 to vector<16xi32>
      %parallel_loop3A_331 = arith.select %parallel_loop3A_328, %parallel_loop3A_321, %parallel_loop3A_330 : vector<16xi1>, vector<16xi32>
      %parallel_loop3A_332 = arith.constant 0 : i32
      %parallel_loop3A_333 = arith.index_cast %parallel_loop3A_332 : i32 to index
      %parallel_loop3A_334 = arith.index_cast %parallel_loop3A_319 : i32 to index
      %parallel_loop3A_335 = tpu.vector_load %arg11[%parallel_loop3A_333, %parallel_loop3A_334] {strides = array<i32>} : memref<8x2048xf32, #tpu.memory_space<vmem>>, vector<16xf32>,
      %parallel_loop3A_336 = arith.constant 1 : i32
      %parallel_loop3A_337 = arith.index_cast %parallel_loop3A_336 : i32 to index
      %parallel_loop3A_338 = arith.index_cast %parallel_loop3A_319 : i32 to index
      %parallel_loop3A_339 = tpu.vector_load %arg11[%parallel_loop3A_337, %parallel_loop3A_338] {strides = array<i32>} : memref<8x2048xf32, #tpu.memory_space<vmem>>, vector<16xf32>,
      %parallel_loop3A_340 = arith.constant 2 : i32
      %parallel_loop3A_341 = arith.index_cast %parallel_loop3A_340 : i32 to index
      %parallel_loop3A_342 = arith.index_cast %parallel_loop3A_319 : i32 to index
      %parallel_loop3A_343 = tpu.vector_load %arg11[%parallel_loop3A_341, %parallel_loop3A_342] {strides = array<i32>} : memref<8x2048xf32, #tpu.memory_space<vmem>>, vector<16xf32>,
      %parallel_loop3A_344 = arith.constant 3 : i32
      %parallel_loop3A_345 = arith.index_cast %parallel_loop3A_344 : i32 to index
      %parallel_loop3A_346 = arith.index_cast %parallel_loop3A_319 : i32 to index
      %parallel_loop3A_347 = tpu.vector_load %arg11[%parallel_loop3A_345, %parallel_loop3A_346] {strides = array<i32>} : memref<8x2048xf32, #tpu.memory_space<vmem>>, vector<16xf32>,
      %parallel_loop3A_348 = arith.constant 4 : i32
      %parallel_loop3A_349 = arith.index_cast %parallel_loop3A_348 : i32 to index
      %parallel_loop3A_350 = arith.index_cast %parallel_loop3A_319 : i32 to index
      %parallel_loop3A_351 = tpu.vector_load %arg11[%parallel_loop3A_349, %parallel_loop3A_350] {strides = array<i32>} : memref<8x2048xf32, #tpu.memory_space<vmem>>, vector<16xf32>,
      %parallel_loop3A_352 = arith.constant 5 : i32
      %parallel_loop3A_353 = arith.index_cast %parallel_loop3A_352 : i32 to index
      %parallel_loop3A_354 = arith.index_cast %parallel_loop3A_319 : i32 to index
      %parallel_loop3A_355 = tpu.vector_load %arg11[%parallel_loop3A_353, %parallel_loop3A_354] {strides = array<i32>} : memref<8x2048xf32, #tpu.memory_space<vmem>>, vector<16xf32>,
      %parallel_loop3A_356 = arith.constant 6 : i32
      %parallel_loop3A_357 = arith.index_cast %parallel_loop3A_356 : i32 to index
      %parallel_loop3A_358 = arith.index_cast %parallel_loop3A_319 : i32 to index
      %parallel_loop3A_359 = tpu.vector_load %arg11[%parallel_loop3A_357, %parallel_loop3A_358] {strides = array<i32>} : memref<8x2048xf32, #tpu.memory_space<vmem>>, vector<16xf32>,
      %parallel_loop3A_360 = arith.constant 7 : i32
      %parallel_loop3A_361 = arith.index_cast %parallel_loop3A_360 : i32 to index
      %parallel_loop3A_362 = arith.index_cast %parallel_loop3A_319 : i32 to index
      %parallel_loop3A_363 = tpu.vector_load %arg11[%parallel_loop3A_361, %parallel_loop3A_362] {strides = array<i32>} : memref<8x2048xf32, #tpu.memory_space<vmem>>, vector<16xf32>,
      %parallel_loop3A_364 = arith.constant 0 : i32
      %parallel_loop3A_365 = vector.broadcast %parallel_loop3A_364 : i32 to vector<16xi32>
      %parallel_loop3A_366 = arith.addi %parallel_loop3A_331, %parallel_loop3A_365 : vector<16xi32>
      %parallel_loop3A_367 = tpu.vector_load_idx %arg8[%parallel_loop3A_366] : memref<12288xf32, #tpu.memory_space<vmem>>[vector<16xi32>], vector<16xf32>,
      %parallel_loop3A_368 = arith.constant 1024 : i32
      %parallel_loop3A_369 = vector.broadcast %parallel_loop3A_368 : i32 to vector<16xi32>
      %parallel_loop3A_370 = arith.addi %parallel_loop3A_331, %parallel_loop3A_369 : vector<16xi32>
      %parallel_loop3A_371 = tpu.vector_load_idx %arg8[%parallel_loop3A_370] : memref<12288xf32, #tpu.memory_space<vmem>>[vector<16xi32>], vector<16xf32>,
      %parallel_loop3A_372 = arith.constant 2048 : i32
      %parallel_loop3A_373 = vector.broadcast %parallel_loop3A_372 : i32 to vector<16xi32>
      %parallel_loop3A_374 = arith.addi %parallel_loop3A_331, %parallel_loop3A_373 : vector<16xi32>
      %parallel_loop3A_375 = tpu.vector_load_idx %arg8[%parallel_loop3A_374] : memref<12288xf32, #tpu.memory_space<vmem>>[vector<16xi32>], vector<16xf32>,
      %parallel_loop3A_376 = arith.constant 3072 : i32
      %parallel_loop3A_377 = vector.broadcast %parallel_loop3A_376 : i32 to vector<16xi32>
      %parallel_loop3A_378 = arith.addi %parallel_loop3A_331, %parallel_loop3A_377 : vector<16xi32>
      %parallel_loop3A_379 = tpu.vector_load_idx %arg8[%parallel_loop3A_378] : memref<12288xf32, #tpu.memory_space<vmem>>[vector<16xi32>], vector<16xf32>,
      %parallel_loop3A_380 = arith.constant 4096 : i32
      %parallel_loop3A_381 = vector.broadcast %parallel_loop3A_380 : i32 to vector<16xi32>
      %parallel_loop3A_382 = arith.addi %parallel_loop3A_331, %parallel_loop3A_381 : vector<16xi32>
      %parallel_loop3A_383 = tpu.vector_load_idx %arg8[%parallel_loop3A_382] : memref<12288xf32, #tpu.memory_space<vmem>>[vector<16xi32>], vector<16xf32>,
      %parallel_loop3A_384 = arith.constant 5120 : i32
      %parallel_loop3A_385 = vector.broadcast %parallel_loop3A_384 : i32 to vector<16xi32>
      %parallel_loop3A_386 = arith.addi %parallel_loop3A_331, %parallel_loop3A_385 : vector<16xi32>
      %parallel_loop3A_387 = tpu.vector_load_idx %arg8[%parallel_loop3A_386] : memref<12288xf32, #tpu.memory_space<vmem>>[vector<16xi32>], vector<16xf32>,
      %parallel_loop3A_388 = arith.constant 6144 : i32
      %parallel_loop3A_389 = vector.broadcast %parallel_loop3A_388 : i32 to vector<16xi32>
      %parallel_loop3A_390 = arith.addi %parallel_loop3A_331, %parallel_loop3A_389 : vector<16xi32>
      %parallel_loop3A_391 = tpu.vector_load_idx %arg8[%parallel_loop3A_390] : memref<12288xf32, #tpu.memory_space<vmem>>[vector<16xi32>], vector<16xf32>,
      %parallel_loop3A_392 = arith.constant 7168 : i32
      %parallel_loop3A_393 = vector.broadcast %parallel_loop3A_392 : i32 to vector<16xi32>
      %parallel_loop3A_394 = arith.addi %parallel_loop3A_331, %parallel_loop3A_393 : vector<16xi32>
      %parallel_loop3A_395 = tpu.vector_load_idx %arg8[%parallel_loop3A_394] : memref<12288xf32, #tpu.memory_space<vmem>>[vector<16xi32>], vector<16xf32>,
      %parallel_loop3A_396 = arith.constant 8192 : i32
      %parallel_loop3A_397 = vector.broadcast %parallel_loop3A_396 : i32 to vector<16xi32>
      %parallel_loop3A_398 = arith.addi %parallel_loop3A_331, %parallel_loop3A_397 : vector<16xi32>
      %parallel_loop3A_399 = tpu.vector_load_idx %arg8[%parallel_loop3A_398] : memref<12288xf32, #tpu.memory_space<vmem>>[vector<16xi32>], vector<16xf32>,
      %parallel_loop3A_400 = arith.constant 9216 : i32
      %parallel_loop3A_401 = vector.broadcast %parallel_loop3A_400 : i32 to vector<16xi32>
      %parallel_loop3A_402 = arith.addi %parallel_loop3A_331, %parallel_loop3A_401 : vector<16xi32>
      %parallel_loop3A_403 = tpu.vector_load_idx %arg8[%parallel_loop3A_402] : memref<12288xf32, #tpu.memory_space<vmem>>[vector<16xi32>], vector<16xf32>,
      %parallel_loop3A_404 = arith.constant 10240 : i32
      %parallel_loop3A_405 = vector.broadcast %parallel_loop3A_404 : i32 to vector<16xi32>
      %parallel_loop3A_406 = arith.addi %parallel_loop3A_331, %parallel_loop3A_405 : vector<16xi32>
      %parallel_loop3A_407 = tpu.vector_load_idx %arg8[%parallel_loop3A_406] : memref<12288xf32, #tpu.memory_space<vmem>>[vector<16xi32>], vector<16xf32>,
      %parallel_loop3A_408 = arith.constant 11264 : i32
      %parallel_loop3A_409 = vector.broadcast %parallel_loop3A_408 : i32 to vector<16xi32>
      %parallel_loop3A_410 = arith.addi %parallel_loop3A_331, %parallel_loop3A_409 : vector<16xi32>
      %parallel_loop3A_411 = tpu.vector_load_idx %arg8[%parallel_loop3A_410] : memref<12288xf32, #tpu.memory_space<vmem>>[vector<16xi32>], vector<16xf32>,
      %parallel_loop3A_412 = arith.addf %parallel_loop3A_335, %parallel_loop3A_403 : vector<16xf32>
      %parallel_loop3A_413 = arith.addf %parallel_loop3A_339, %parallel_loop3A_407 : vector<16xf32>
      %parallel_loop3A_414 = arith.addf %parallel_loop3A_343, %parallel_loop3A_411 : vector<16xf32>
      %parallel_loop3A_415 = arith.mulf %parallel_loop3A_367, %parallel_loop3A_347 : vector<16xf32>
      %parallel_loop3A_416 = arith.mulf %parallel_loop3A_371, %parallel_loop3A_351 : vector<16xf32>
      %parallel_loop3A_417 = arith.addf %parallel_loop3A_415, %parallel_loop3A_416 : vector<16xf32>
      %parallel_loop3A_418 = arith.mulf %parallel_loop3A_375, %parallel_loop3A_355 : vector<16xf32>
      %parallel_loop3A_419 = arith.addf %parallel_loop3A_417, %parallel_loop3A_418 : vector<16xf32>
      %parallel_loop3A_420 = arith.mulf %parallel_loop3A_379, %parallel_loop3A_347 : vector<16xf32>
      %parallel_loop3A_421 = arith.mulf %parallel_loop3A_383, %parallel_loop3A_351 : vector<16xf32>
      %parallel_loop3A_422 = arith.addf %parallel_loop3A_420, %parallel_loop3A_421 : vector<16xf32>
      %parallel_loop3A_423 = arith.mulf %parallel_loop3A_387, %parallel_loop3A_355 : vector<16xf32>
      %parallel_loop3A_424 = arith.addf %parallel_loop3A_422, %parallel_loop3A_423 : vector<16xf32>
      %parallel_loop3A_425 = arith.mulf %parallel_loop3A_391, %parallel_loop3A_347 : vector<16xf32>
      %parallel_loop3A_426 = arith.mulf %parallel_loop3A_395, %parallel_loop3A_351 : vector<16xf32>
      %parallel_loop3A_427 = arith.addf %parallel_loop3A_425, %parallel_loop3A_426 : vector<16xf32>
      %parallel_loop3A_428 = arith.mulf %parallel_loop3A_399, %parallel_loop3A_355 : vector<16xf32>
      %parallel_loop3A_429 = arith.addf %parallel_loop3A_427, %parallel_loop3A_428 : vector<16xf32>
      %parallel_loop3A_430 = arith.constant 0 : i32
      %parallel_loop3A_431 = arith.index_cast %parallel_loop3A_430 : i32 to index
      %parallel_loop3A_432 = arith.index_cast %parallel_loop3A_319 : i32 to index
      %parallel_loop3A_433 = tpu.vector_load %arg12[%parallel_loop3A_431, %parallel_loop3A_432] {strides = array<i32>} : memref<8x2048xf32, #tpu.memory_space<vmem>>, vector<16xf32>,
      tpu.vector_store %arg12[%parallel_loop3A_431, %parallel_loop3A_432], %parallel_loop3A_412 {strides = array<i32>} : memref<8x2048xf32, #tpu.memory_space<vmem>>, vector<16xf32>,
      %parallel_loop3A_434 = arith.constant 1 : i32
      %parallel_loop3A_435 = arith.index_cast %parallel_loop3A_434 : i32 to index
      %parallel_loop3A_436 = arith.index_cast %parallel_loop3A_319 : i32 to index
      %parallel_loop3A_437 = tpu.vector_load %arg12[%parallel_loop3A_435, %parallel_loop3A_436] {strides = array<i32>} : memref<8x2048xf32, #tpu.memory_space<vmem>>, vector<16xf32>,
      tpu.vector_store %arg12[%parallel_loop3A_435, %parallel_loop3A_436], %parallel_loop3A_413 {strides = array<i32>} : memref<8x2048xf32, #tpu.memory_space<vmem>>, vector<16xf32>,
      %parallel_loop3A_438 = arith.constant 2 : i32
      %parallel_loop3A_439 = arith.index_cast %parallel_loop3A_438 : i32 to index
      %parallel_loop3A_440 = arith.index_cast %parallel_loop3A_319 : i32 to index
      %parallel_loop3A_441 = tpu.vector_load %arg12[%parallel_loop3A_439, %parallel_loop3A_440] {strides = array<i32>} : memref<8x2048xf32, #tpu.memory_space<vmem>>, vector<16xf32>,
      tpu.vector_store %arg12[%parallel_loop3A_439, %parallel_loop3A_440], %parallel_loop3A_414 {strides = array<i32>} : memref<8x2048xf32, #tpu.memory_space<vmem>>, vector<16xf32>,
      %parallel_loop3A_442 = arith.constant 3 : i32
      %parallel_loop3A_443 = arith.index_cast %parallel_loop3A_442 : i32 to index
      %parallel_loop3A_444 = arith.index_cast %parallel_loop3A_319 : i32 to index
      %parallel_loop3A_445 = tpu.vector_load %arg12[%parallel_loop3A_443, %parallel_loop3A_444] {strides = array<i32>} : memref<8x2048xf32, #tpu.memory_space<vmem>>, vector<16xf32>,
      tpu.vector_store %arg12[%parallel_loop3A_443, %parallel_loop3A_444], %parallel_loop3A_419 {strides = array<i32>} : memref<8x2048xf32, #tpu.memory_space<vmem>>, vector<16xf32>,
      %parallel_loop3A_446 = arith.constant 4 : i32
      %parallel_loop3A_447 = arith.index_cast %parallel_loop3A_446 : i32 to index
      %parallel_loop3A_448 = arith.index_cast %parallel_loop3A_319 : i32 to index
      %parallel_loop3A_449 = tpu.vector_load %arg12[%parallel_loop3A_447, %parallel_loop3A_448] {strides = array<i32>} : memref<8x2048xf32, #tpu.memory_space<vmem>>, vector<16xf32>,
      tpu.vector_store %arg12[%parallel_loop3A_447, %parallel_loop3A_448], %parallel_loop3A_424 {strides = array<i32>} : memref<8x2048xf32, #tpu.memory_space<vmem>>, vector<16xf32>,
      %parallel_loop3A_450 = arith.constant 5 : i32
      %parallel_loop3A_451 = arith.index_cast %parallel_loop3A_450 : i32 to index
      %parallel_loop3A_452 = arith.index_cast %parallel_loop3A_319 : i32 to index
      %parallel_loop3A_453 = tpu.vector_load %arg12[%parallel_loop3A_451, %parallel_loop3A_452] {strides = array<i32>} : memref<8x2048xf32, #tpu.memory_space<vmem>>, vector<16xf32>,
      tpu.vector_store %arg12[%parallel_loop3A_451, %parallel_loop3A_452], %parallel_loop3A_429 {strides = array<i32>} : memref<8x2048xf32, #tpu.memory_space<vmem>>, vector<16xf32>,
      %parallel_loop3A_454 = arith.constant 6 : i32
      %parallel_loop3A_455 = arith.index_cast %parallel_loop3A_454 : i32 to index
      %parallel_loop3A_456 = arith.index_cast %parallel_loop3A_319 : i32 to index
      %parallel_loop3A_457 = tpu.vector_load %arg12[%parallel_loop3A_455, %parallel_loop3A_456] {strides = array<i32>} : memref<8x2048xf32, #tpu.memory_space<vmem>>, vector<16xf32>,
      tpu.vector_store %arg12[%parallel_loop3A_455, %parallel_loop3A_456], %parallel_loop3A_359 {strides = array<i32>} : memref<8x2048xf32, #tpu.memory_space<vmem>>, vector<16xf32>,
      %parallel_loop3A_458 = arith.constant 7 : i32
      %parallel_loop3A_459 = arith.index_cast %parallel_loop3A_458 : i32 to index
      %parallel_loop3A_460 = arith.index_cast %parallel_loop3A_319 : i32 to index
      %parallel_loop3A_461 = tpu.vector_load %arg12[%parallel_loop3A_459, %parallel_loop3A_460] {strides = array<i32>} : memref<8x2048xf32, #tpu.memory_space<vmem>>, vector<16xf32>,
      tpu.vector_store %arg12[%parallel_loop3A_459, %parallel_loop3A_460], %parallel_loop3A_363 {strides = array<i32>} : memref<8x2048xf32, #tpu.memory_space<vmem>>, vector<16xf32>,
    } {sc.loop_unroll_factor = 1 : i64, sc.parallel_access}
    %add3A_287 = arith.constant 1536 : i32
    %add3A_288 = arith.addi %mul3A_2, %add3A_287 : i32
    "tpu.region"() ({
      %run_scoped3A = tpu.sem_alloc : memref<!tpu.dma_semaphore, #tpu.memory_space<semaphore_mem>>
      %dma_start3A_319 = arith.constant 0 : i32
      %dma_start3A_320 = arith.constant 1536 : i32
      %dma_start3A_321 = tpu.memref_slice %arg12[%dma_start3A_319, %dma_start3A_320] : memref<8x2048xf32, #tpu.memory_space<vmem>> -> memref<8x512xf32, #tpu.memory_space<vmem>>
      %dma_start3A_322 = arith.constant 0 : i32
      %dma_start3A_323 = tpu.memref_slice %arg6[%dma_start3A_322, %add3A_288] : memref<8x65536xf32, #tpu.memory_space<hbm>> -> memref<8x512xf32, #tpu.memory_space<hbm>>
      %dma_start3A_324 = arith.constant 0 : i32
      %dma_start3A_325 = tpu.memref_slice %arg6[%dma_start3A_324, %add3A_288] : memref<8x65536xf32, #tpu.memory_space<hbm>> -> memref<8x512xf32, #tpu.memory_space<hbm>>
      %dma_start3A_326 = arith.constant 0 : i32
      %dma_start3A_327 = arith.constant 1536 : i32
      %dma_start3A_328 = tpu.memref_slice %arg12[%dma_start3A_326, %dma_start3A_327] : memref<8x2048xf32, #tpu.memory_space<vmem>> -> memref<8x512xf32, #tpu.memory_space<vmem>>
      tpu.enqueue_dma source(%dma_start3A_328 : memref<8x512xf32, #tpu.memory_space<vmem>>) target(%dma_start3A_325 : memref<8x512xf32, #tpu.memory_space<hbm>>) target_semaphore(%run_scoped3A : memref<!tpu.dma_semaphore, #tpu.memory_space<semaphore_mem>>)
      %dma_wait3A_329 = arith.constant 0 : i32
      %dma_wait3A_330 = arith.constant 1536 : i32
      %dma_wait3A_331 = tpu.memref_slice %arg12[%dma_wait3A_329, %dma_wait3A_330] : memref<8x2048xf32, #tpu.memory_space<vmem>> -> memref<8x512xf32, #tpu.memory_space<vmem>>
      %dma_wait3A_332 = arith.constant 0 : i32
      %dma_wait3A_333 = tpu.memref_slice %arg6[%dma_wait3A_332, %add3A_288] : memref<8x65536xf32, #tpu.memory_space<hbm>> -> memref<8x512xf32, #tpu.memory_space<hbm>>
      %dma_wait3A_334 = arith.constant 0 : i32
      %dma_wait3A_335 = tpu.memref_slice %arg6[%dma_wait3A_334, %add3A_288] : memref<8x65536xf32, #tpu.memory_space<hbm>> -> memref<8x512xf32, #tpu.memory_space<hbm>>
      %dma_wait3A_336 = arith.constant 0 : i32
      %dma_wait3A_337 = arith.constant 1536 : i32
      %dma_wait3A_338 = tpu.memref_slice %arg12[%dma_wait3A_336, %dma_wait3A_337] : memref<8x2048xf32, #tpu.memory_space<vmem>> -> memref<8x512xf32, #tpu.memory_space<vmem>>
      tpu.wait_dma2 semaphore(%run_scoped3A : memref<!tpu.dma_semaphore, #tpu.memory_space<semaphore_mem>>) src(%dma_wait3A_338 : memref<8x512xf32, #tpu.memory_space<vmem>>) dst(%dma_wait3A_335 : memref<8x512xf32, #tpu.memory_space<hbm>>)
      tpu.yield
    }) : () -> ()
    %dma_wait3A_289 = arith.constant 0 : i32
    %dma_wait3A_290 = arith.constant 0 : i32
    %dma_wait3A_291 = tpu.memref_slice %arg12[%dma_wait3A_289, %dma_wait3A_290] : memref<8x2048xf32, #tpu.memory_space<vmem>> -> memref<8x512xf32, #tpu.memory_space<vmem>>
    %dma_wait3A_292 = arith.constant 0 : i32
    %dma_wait3A_293 = tpu.memref_slice %arg6[%dma_wait3A_292, %add3A_165] : memref<8x65536xf32, #tpu.memory_space<hbm>> -> memref<8x512xf32, #tpu.memory_space<hbm>>
    %dma_wait3A_294 = arith.constant 0 : i32
    %dma_wait3A_295 = tpu.memref_slice %arg6[%dma_wait3A_294, %add3A_165] : memref<8x65536xf32, #tpu.memory_space<hbm>> -> memref<8x512xf32, #tpu.memory_space<hbm>>
    %dma_wait3A_296 = arith.constant 0 : i32
    %dma_wait3A_297 = arith.constant 0 : i32
    %dma_wait3A_298 = tpu.memref_slice %arg12[%dma_wait3A_296, %dma_wait3A_297] : memref<8x2048xf32, #tpu.memory_space<vmem>> -> memref<8x512xf32, #tpu.memory_space<vmem>>
    tpu.wait_dma2 semaphore(%arg18 : memref<!tpu.dma_semaphore, #tpu.memory_space<semaphore_mem>>) src(%dma_wait3A_298 : memref<8x512xf32, #tpu.memory_space<vmem>>) dst(%dma_wait3A_295 : memref<8x512xf32, #tpu.memory_space<hbm>>)
    %dma_wait3A_299 = arith.constant 0 : i32
    %dma_wait3A_300 = arith.constant 512 : i32
    %dma_wait3A_301 = tpu.memref_slice %arg12[%dma_wait3A_299, %dma_wait3A_300] : memref<8x2048xf32, #tpu.memory_space<vmem>> -> memref<8x512xf32, #tpu.memory_space<vmem>>
    %dma_wait3A_302 = arith.constant 0 : i32
    %dma_wait3A_303 = tpu.memref_slice %arg6[%dma_wait3A_302, %add3A_206] : memref<8x65536xf32, #tpu.memory_space<hbm>> -> memref<8x512xf32, #tpu.memory_space<hbm>>
    %dma_wait3A_304 = arith.constant 0 : i32
    %dma_wait3A_305 = tpu.memref_slice %arg6[%dma_wait3A_304, %add3A_206] : memref<8x65536xf32, #tpu.memory_space<hbm>> -> memref<8x512xf32, #tpu.memory_space<hbm>>
    %dma_wait3A_306 = arith.constant 0 : i32
    %dma_wait3A_307 = arith.constant 512 : i32
    %dma_wait3A_308 = tpu.memref_slice %arg12[%dma_wait3A_306, %dma_wait3A_307] : memref<8x2048xf32, #tpu.memory_space<vmem>> -> memref<8x512xf32, #tpu.memory_space<vmem>>
    tpu.wait_dma2 semaphore(%arg18 : memref<!tpu.dma_semaphore, #tpu.memory_space<semaphore_mem>>) src(%dma_wait3A_308 : memref<8x512xf32, #tpu.memory_space<vmem>>) dst(%dma_wait3A_305 : memref<8x512xf32, #tpu.memory_space<hbm>>)
    %dma_wait3A_309 = arith.constant 0 : i32
    %dma_wait3A_310 = arith.constant 1024 : i32
    %dma_wait3A_311 = tpu.memref_slice %arg12[%dma_wait3A_309, %dma_wait3A_310] : memref<8x2048xf32, #tpu.memory_space<vmem>> -> memref<8x512xf32, #tpu.memory_space<vmem>>
    %dma_wait3A_312 = arith.constant 0 : i32
    %dma_wait3A_313 = tpu.memref_slice %arg6[%dma_wait3A_312, %add3A_247] : memref<8x65536xf32, #tpu.memory_space<hbm>> -> memref<8x512xf32, #tpu.memory_space<hbm>>
    %dma_wait3A_314 = arith.constant 0 : i32
    %dma_wait3A_315 = tpu.memref_slice %arg6[%dma_wait3A_314, %add3A_247] : memref<8x65536xf32, #tpu.memory_space<hbm>> -> memref<8x512xf32, #tpu.memory_space<hbm>>
    %dma_wait3A_316 = arith.constant 0 : i32
    %dma_wait3A_317 = arith.constant 1024 : i32
    %dma_wait3A_318 = tpu.memref_slice %arg12[%dma_wait3A_316, %dma_wait3A_317] : memref<8x2048xf32, #tpu.memory_space<vmem>> -> memref<8x512xf32, #tpu.memory_space<vmem>>
    tpu.wait_dma2 semaphore(%arg18 : memref<!tpu.dma_semaphore, #tpu.memory_space<semaphore_mem>>) src(%dma_wait3A_318 : memref<8x512xf32, #tpu.memory_space<vmem>>) dst(%dma_wait3A_315 : memref<8x512xf32, #tpu.memory_space<hbm>>)
    return
  }
}

module attributes {stable_mosaic.version = 14 : i64} {
  func.func @_table_body(%arg0: memref<3x1000xf32, #tpu.memory_space<vmem>>, %arg1: memref<3x1000xf32, #tpu.memory_space<vmem>>, %arg2: memref<12x1024xf32, #tpu.memory_space<vmem>>) attributes {dimension_semantics = [], scalar_prefetch = 0 : i64, scratch_operands = 0 : i64, tpu.core_type = #tpu.core_type<tc>} {
    %broadcast_in_dim3A = arith.constant 0.000000e+00 : f32
    %broadcast_in_dim3A_0 = vector.broadcast %broadcast_in_dim3A : f32 to vector<1x24xf32>
    %get3A = arith.constant 0 : index
    %get3A_1 = arith.constant 0 : index
    %get3A_2 = vector.load %arg0[%get3A, %get3A_1] : memref<3x1000xf32, #tpu.memory_space<vmem>>, vector<1x1000xf32>
    %concatenate3A = tpu.concatenate %get3A_2, %broadcast_in_dim3A_0 in 1 : vector<1x1000xf32>, vector<1x24xf32> -> vector<1x1024xf32>
    %get3A_3 = arith.constant 1 : index
    %get3A_4 = arith.constant 0 : index
    %get3A_5 = vector.load %arg0[%get3A_3, %get3A_4] : memref<3x1000xf32, #tpu.memory_space<vmem>>, vector<1x1000xf32>
    %concatenate3A_6 = tpu.concatenate %get3A_5, %broadcast_in_dim3A_0 in 1 : vector<1x1000xf32>, vector<1x24xf32> -> vector<1x1024xf32>
    %get3A_7 = arith.constant 2 : index
    %get3A_8 = arith.constant 0 : index
    %get3A_9 = vector.load %arg0[%get3A_7, %get3A_8] : memref<3x1000xf32, #tpu.memory_space<vmem>>, vector<1x1000xf32>
    %concatenate3A_10 = tpu.concatenate %get3A_9, %broadcast_in_dim3A_0 in 1 : vector<1x1000xf32>, vector<1x24xf32> -> vector<1x1024xf32>
    %get3A_11 = arith.constant 0 : index
    %get3A_12 = arith.constant 0 : index
    %get3A_13 = vector.load %arg1[%get3A_11, %get3A_12] : memref<3x1000xf32, #tpu.memory_space<vmem>>, vector<1x1000xf32>
    %concatenate3A_14 = tpu.concatenate %get3A_13, %broadcast_in_dim3A_0 in 1 : vector<1x1000xf32>, vector<1x24xf32> -> vector<1x1024xf32>
    %get3A_15 = arith.constant 1 : index
    %get3A_16 = arith.constant 0 : index
    %get3A_17 = vector.load %arg1[%get3A_15, %get3A_16] : memref<3x1000xf32, #tpu.memory_space<vmem>>, vector<1x1000xf32>
    %concatenate3A_18 = tpu.concatenate %get3A_17, %broadcast_in_dim3A_0 in 1 : vector<1x1000xf32>, vector<1x24xf32> -> vector<1x1024xf32>
    %get3A_19 = arith.constant 2 : index
    %get3A_20 = arith.constant 0 : index
    %get3A_21 = vector.load %arg1[%get3A_19, %get3A_20] : memref<3x1000xf32, #tpu.memory_space<vmem>>, vector<1x1000xf32>
    %concatenate3A_22 = tpu.concatenate %get3A_21, %broadcast_in_dim3A_0 in 1 : vector<1x1000xf32>, vector<1x24xf32> -> vector<1x1024xf32>
    %mul3A = arith.mulf %concatenate3A, %concatenate3A : vector<1x1024xf32>
    %mul3A_23 = arith.mulf %concatenate3A_6, %concatenate3A_6 : vector<1x1024xf32>
    %add3A = arith.addf %mul3A, %mul3A_23 : vector<1x1024xf32>
    %mul3A_24 = arith.mulf %concatenate3A_10, %concatenate3A_10 : vector<1x1024xf32>
    %add3A_25 = arith.addf %add3A, %mul3A_24 : vector<1x1024xf32>
    %max3A = arith.constant 1.000000e-24 : f32
    %max3A_26 = vector.broadcast %max3A : f32 to vector<1x1024xf32>
    %max3A_27 = arith.maximumf %add3A_25, %max3A_26 : vector<1x1024xf32>
    %sqrt3A = math.sqrt %max3A_27 : vector<1x1024xf32>
    %lt3A = arith.constant 9.99999993E-9 : f32
    %lt3A_28 = vector.broadcast %lt3A : f32 to vector<1x1024xf32>
    %lt3A_29 = arith.cmpf olt, %add3A_25, %lt3A_28 : vector<1x1024xf32>
    %div3A = arith.constant 6.000000e+00 : f32
    %div3A_30 = vector.broadcast %div3A : f32 to vector<1x1024xf32>
    %div3A_31 = arith.divf %add3A_25, %div3A_30 : vector<1x1024xf32>
    %sub3A = arith.constant 1.000000e+00 : f32
    %sub3A_32 = vector.broadcast %sub3A : f32 to vector<1x1024xf32>
    %sub3A_33 = arith.subf %sub3A_32, %div3A_31 : vector<1x1024xf32>
    %sin3A = math.sin %sqrt3A : vector<1x1024xf32>
    %div3A_34 = arith.divf %sin3A, %sqrt3A : vector<1x1024xf32>
    %select_n3A = arith.select %lt3A_29, %sub3A_33, %div3A_34 : vector<1x1024xi1>, vector<1x1024xf32>
    %div3A_35 = arith.constant 2.400000e+01 : f32
    %div3A_36 = vector.broadcast %div3A_35 : f32 to vector<1x1024xf32>
    %div3A_37 = arith.divf %add3A_25, %div3A_36 : vector<1x1024xf32>
    %sub3A_38 = arith.constant 5.000000e-01 : f32
    %sub3A_39 = vector.broadcast %sub3A_38 : f32 to vector<1x1024xf32>
    %sub3A_40 = arith.subf %sub3A_39, %div3A_37 : vector<1x1024xf32>
    %cos3A = math.cos %sqrt3A : vector<1x1024xf32>
    %sub3A_41 = arith.constant 1.000000e+00 : f32
    %sub3A_42 = vector.broadcast %sub3A_41 : f32 to vector<1x1024xf32>
    %sub3A_43 = arith.subf %sub3A_42, %cos3A : vector<1x1024xf32>
    %max3A_44 = arith.constant 1.000000e-24 : f32
    %max3A_45 = vector.broadcast %max3A_44 : f32 to vector<1x1024xf32>
    %max3A_46 = arith.maximumf %add3A_25, %max3A_45 : vector<1x1024xf32>
    %div3A_47 = arith.divf %sub3A_43, %max3A_46 : vector<1x1024xf32>
    %select_n3A_48 = arith.select %lt3A_29, %sub3A_40, %div3A_47 : vector<1x1024xi1>, vector<1x1024xf32>
    %mul3A_49 = arith.mulf %select_n3A_48, %concatenate3A : vector<1x1024xf32>
    %mul3A_50 = arith.mulf %mul3A_49, %concatenate3A_6 : vector<1x1024xf32>
    %mul3A_51 = arith.mulf %select_n3A_48, %concatenate3A : vector<1x1024xf32>
    %mul3A_52 = arith.mulf %mul3A_51, %concatenate3A_10 : vector<1x1024xf32>
    %mul3A_53 = arith.mulf %select_n3A_48, %concatenate3A_6 : vector<1x1024xf32>
    %mul3A_54 = arith.mulf %mul3A_53, %concatenate3A_10 : vector<1x1024xf32>
    %mul3A_55 = arith.mulf %concatenate3A_6, %concatenate3A_6 : vector<1x1024xf32>
    %mul3A_56 = arith.mulf %concatenate3A_10, %concatenate3A_10 : vector<1x1024xf32>
    %add3A_57 = arith.addf %mul3A_55, %mul3A_56 : vector<1x1024xf32>
    %mul3A_58 = arith.mulf %select_n3A_48, %add3A_57 : vector<1x1024xf32>
    %sub3A_59 = arith.constant 1.000000e+00 : f32
    %sub3A_60 = vector.broadcast %sub3A_59 : f32 to vector<1x1024xf32>
    %sub3A_61 = arith.subf %sub3A_60, %mul3A_58 : vector<1x1024xf32>
    %mul3A_62 = arith.mulf %concatenate3A, %concatenate3A : vector<1x1024xf32>
    %mul3A_63 = arith.mulf %concatenate3A_10, %concatenate3A_10 : vector<1x1024xf32>
    %add3A_64 = arith.addf %mul3A_62, %mul3A_63 : vector<1x1024xf32>
    %mul3A_65 = arith.mulf %select_n3A_48, %add3A_64 : vector<1x1024xf32>
    %sub3A_66 = arith.constant 1.000000e+00 : f32
    %sub3A_67 = vector.broadcast %sub3A_66 : f32 to vector<1x1024xf32>
    %sub3A_68 = arith.subf %sub3A_67, %mul3A_65 : vector<1x1024xf32>
    %mul3A_69 = arith.mulf %concatenate3A, %concatenate3A : vector<1x1024xf32>
    %mul3A_70 = arith.mulf %concatenate3A_6, %concatenate3A_6 : vector<1x1024xf32>
    %add3A_71 = arith.addf %mul3A_69, %mul3A_70 : vector<1x1024xf32>
    %mul3A_72 = arith.mulf %select_n3A_48, %add3A_71 : vector<1x1024xf32>
    %sub3A_73 = arith.constant 1.000000e+00 : f32
    %sub3A_74 = vector.broadcast %sub3A_73 : f32 to vector<1x1024xf32>
    %sub3A_75 = arith.subf %sub3A_74, %mul3A_72 : vector<1x1024xf32>
    %mul3A_76 = arith.mulf %select_n3A, %concatenate3A_10 : vector<1x1024xf32>
    %sub3A_77 = arith.subf %mul3A_50, %mul3A_76 : vector<1x1024xf32>
    %mul3A_78 = arith.mulf %select_n3A, %concatenate3A_10 : vector<1x1024xf32>
    %add3A_79 = arith.addf %mul3A_50, %mul3A_78 : vector<1x1024xf32>
    %mul3A_80 = arith.mulf %select_n3A, %concatenate3A_6 : vector<1x1024xf32>
    %add3A_81 = arith.addf %mul3A_52, %mul3A_80 : vector<1x1024xf32>
    %mul3A_82 = arith.mulf %select_n3A, %concatenate3A_6 : vector<1x1024xf32>
    %sub3A_83 = arith.subf %mul3A_52, %mul3A_82 : vector<1x1024xf32>
    %mul3A_84 = arith.mulf %select_n3A, %concatenate3A : vector<1x1024xf32>
    %sub3A_85 = arith.subf %mul3A_54, %mul3A_84 : vector<1x1024xf32>
    %mul3A_86 = arith.mulf %select_n3A, %concatenate3A : vector<1x1024xf32>
    %add3A_87 = arith.addf %mul3A_54, %mul3A_86 : vector<1x1024xf32>
    %concatenate3A_88 = tpu.concatenate %sub3A_61, %sub3A_77, %add3A_81, %add3A_79, %sub3A_68, %sub3A_85, %sub3A_83, %add3A_87, %sub3A_75, %concatenate3A_14, %concatenate3A_18, %concatenate3A_22 in 0 : vector<1x1024xf32>, vector<1x1024xf32>, vector<1x1024xf32>, vector<1x1024xf32>, vector<1x1024xf32>, vector<1x1024xf32>, vector<1x1024xf32>, vector<1x1024xf32>, vector<1x1024xf32>, vector<1x1024xf32>, vector<1x1024xf32>, vector<1x1024xf32> -> vector<12x1024xf32>
    %swap3A = arith.constant 0 : index
    %swap3A_89 = arith.constant 0 : index
    %swap3A_90 = vector.load %arg2[%swap3A, %swap3A_89] : memref<12x1024xf32, #tpu.memory_space<vmem>>, vector<12x1024xf32>
    tpu.vector_store %arg2[%swap3A, %swap3A_89], %concatenate3A_88 {strides = array<i32>} : memref<12x1024xf32, #tpu.memory_space<vmem>>, vector<12x1024xf32>,
    return
  }
}

</mosaic_0001>

<sc_bundles>
// kernel: kernel.4.cloned.1.call-start
scs
__scs_entry_jumppad:
0x0: {  	(pc) =	sbr.rel $0x88, $3  }
0x1: {  	(tag) =	ssettag $0x0;
	lr =	simm.s32 $0x1  }
0x2: {  	[smem:$0x3F9C] =	sst lr;
	_ =	strace $0xD0000000  }
0x3: {  	_ = 	snop  }
0x4: {  	_ = 	snop  }
0x5: {  	_ = 	snop  }
0x6: {  	_ = 	snop  }
0x7: {  	_ = 	snop  }
__scs_overlays_trampoline_lowered:
0x8: {  	[smem:$0x3FAB] =	sst s0  }
0x9: {  	[smem:$0x3FAC] =	sst s1  }
0xa: {  	[smem:$0x3FAD] =	sst s2  }
0xb: {  	[smem:$0x3FAE] =	sst s3  }
0xc: {  	[smem:$0x3FAF] =	sst s4  }
0xd: {  	[smem:$0x3FB0] =	sst s5  }
0xe: {  	[smem:$0x3FB1] =	sst s6  }
0xf: {  	[smem:$0x3FB2] =	sst s7  }
0x10: {  	[smem:$0x3FB3] =	sst s8  }
0x11: {  	[smem:$0x3FB4] =	sst s9;
	s0 =	simm.s32 @!p0 $0x0  }
0x12: {  	s1 =	sld [smem:$0x3F9A];
	s0 =	simm.s32 @p0 $0x1  }
0x13: {  	[smem:$0x3FB5] =	sst s0;
	s0 =	simm.s32 @!p1 $0x0  }
0x14: {  	s2 =	sld [smem:$0x3F99];
	s0 =	simm.s32 @p1 $0x1  }
0x15: {  	[smem:$0x3FB6] =	sst s0;
	s0 =	simm.s32 @!p2 $0x0  }
0x16: {  	s3 =	sld [smem:$0x3FDB];
	s0 =	simm.s32 @p2 $0x1  }
0x17: {  	s4 =	simm.s32 $0x1BF5;
	[smem:$0x3FB8] =	sst s0  }
0x18: {  	s0 =	sld [smem:$0x3F9B];
	_ =	swait.ge [sflag:s4], $0x0  }
0x19: {  	s7 =	sld [smem:$0x3F9C]  }
0x1a: {  	s8 =	sadd.s32 $0xFFFFE003, lr  }
0x1b: {  	s9 =	sadd.s32 $0xFFFFFEF7, lr;
	s5 =	simm.s32 $0xFFFFFFFF;
	p2 =	slt.u32 s8, $0xFFFFF086  }
0x1c: {  	p1 =	slt.u32 s9, $0xF7A;
	s5 =	simm.s32 @!p2 $0x0  }
0x1d: {  	s5 =	simm.s32 @p1 $0x1;
	p0 =	seq.s32 s7, s2  }
0x1e: {  	s7 =	smul.u32 @!p0 $0xF7A, s2;
	p2 =	seq.s32 @!p0 s5, $0x0  }
0x1f: {  	s9 =	smul.u32 $0xF7A, s1;
	s8 =	simm.s32 @!p0 $0x1BF5;
	p2 =	por !p2, p0  }
0x20: {  	[sflag:s8] =	ssyncset.s32 @!p0 $0xFFFFF086;
	s6 =	sadd.s32 @!p0 s3, s7;
	s7 =	simm.s32 @!p0 $0x108  }
0x21: {  	s3 =	sadd.s32 s3, s9;
	s6 =	sadd.s32 @!p0 $0x88, s6;
	s7 =	simm.s32 @p2 $0x1082  }
0x22: {  	[simem:s7], [sflag:s8] =	dma.local @!p0 [hbm:s6], $0xF7A  }
0x23: {  	s9 =	sor.u32 $0xD0000000, s2;
	s6 =	simm.s32 $0x108;
	_ =	swait.ge @!p0 [sflag:s8], $0x0  }
0x24: {  	s3 =	sadd.s32 $0x88, s3;
	s6 =	simm.s32 @!p1 $0x1082;
	[sflag:s4] =	ssyncset.s32 $0xFFFFF086  }
0x25: {  	[simem:s6], [sflag:s4] =	dma.local [hbm:s3], $0xF7A  }
0x26: {  	[smem:$0x3F9C] =	sst s1;
	(tag) =	ssettag s2;
	_ =	strace s9  }
0x27: {  	s1 =	sld [smem:$0x3FAC]  }
0x28: {  	s2 =	sld [smem:$0x3FAD]  }
0x29: {  	s4 =	sld [smem:$0x3FAF]  }
0x2a: {  	p0 =	seq.s32 s5, $0x0;
	s5 =	sld [smem:$0x3FB0]  }
0x2b: {  	s6 =	sld [smem:$0x3FB1]  }
0x2c: {  	s7 =	sld [smem:$0x3FB2]  }
0x2d: {  	s3 =	simm.s32 $0x108;
	s8 =	sld [smem:$0x3FB3]  }
0x2e: {  	s3 =	simm.s32 @!p0 $0x1082;
	s9 =	sld [smem:$0x3FB4]  }
0x2f: {  	lr =	sadd.s32 s0, s3;
	s0 =	sld [smem:$0x3FAB]  }
0x30: {  	s3 =	sld [smem:$0x3FAE]  }
0x31: {  	[smem:$0x3FB7] =	sst s10  }
0x32: {  	s10 =	sld [smem:$0x3FB5];
	_ =	sdelay $0x3  }
0x33: {  	p0 =	seq.s32 s10, $0x1;
	s10 =	sld [smem:$0x3FB7];
	_ =	sdelay $0x3  }
0x34: {  	[smem:$0x3FB7] =	sst s10  }
0x35: {  	s10 =	sld [smem:$0x3FB6];
	_ =	sdelay $0x3  }
0x36: {  	p1 =	seq.s32 s10, $0x1;
	s10 =	sld [smem:$0x3FB7];
	_ =	sdelay $0x3  }
0x37: {  	[smem:$0x3FB7] =	sst s10  }
0x38: {  	s10 =	sld [smem:$0x3FB8]  }
0x39: {  	_ = 	snop;
	(pc) =	sbr.ind lr, $3  }
0x3a: {  	_ = 	snop  }
0x3b: {  	_ = 	snop  }
0x3c: {  	p2 =	seq.s32 s10, $0x1;
	s10 =	sld [smem:$0x3FB7]  }
0x3d: {  	_ =	shalt  }
0x3e: {  	_ =	shalt  }
0x3f: {  	_ =	shalt  }
0x40: {  	_ =	shalt  }
0x41: {  	_ =	shalt  }
0x42: {  	_ =	shalt  }
0x43: {  	_ =	shalt  }
0x44: {  	_ =	shalt  }
0x45: {  	_ =	shalt  }
0x46: {  	_ =	shalt  }
0x47: {  	_ =	shalt  }
0x48: {  	_ =	shalt  }
0x49: {  	_ =	shalt  }
0x4a: {  	_ =	shalt  }
0x4b: {  	_ =	shalt  }
0x4c: {  	_ =	shalt  }
0x4d: {  	_ =	shalt  }
0x4e: {  	_ =	shalt  }
0x4f: {  	_ =	shalt  }
0x50: {  	_ =	shalt  }
0x51: {  	_ =	shalt  }
0x52: {  	_ =	shalt  }
0x53: {  	_ =	shalt  }
0x54: {  	_ =	shalt  }
0x55: {  	_ =	shalt  }
0x56: {  	_ =	shalt  }
0x57: {  	_ =	shalt  }
0x58: {  	_ =	shalt  }
0x59: {  	_ =	shalt  }
0x5a: {  	_ =	shalt  }
0x5b: {  	_ =	shalt  }
0x5c: {  	_ =	shalt  }
0x5d: {  	_ =	shalt  }
0x5e: {  	_ =	shalt  }
0x5f: {  	_ =	shalt  }
0x60: {  	_ =	shalt  }
0x61: {  	_ =	shalt  }
0x62: {  	_ =	shalt  }
0x63: {  	_ =	shalt  }
0x64: {  	_ =	shalt  }
0x65: {  	_ =	shalt  }
0x66: {  	_ =	shalt  }
0x67: {  	_ =	shalt  }
0x68: {  	_ =	shalt  }
0x69: {  	_ =	shalt  }
0x6a: {  	_ =	shalt  }
0x6b: {  	_ =	shalt  }
0x6c: {  	_ =	shalt  }
0x6d: {  	_ =	shalt  }
0x6e: {  	_ =	shalt  }
0x6f: {  	_ =	shalt  }
0x70: {  	_ =	shalt  }
0x71: {  	_ =	shalt  }
0x72: {  	_ =	shalt  }
0x73: {  	_ =	shalt  }
0x74: {  	_ =	shalt  }
0x75: {  	_ =	shalt  }
0x76: {  	_ =	shalt  }
0x77: {  	_ =	shalt  }
0x78: {  	_ =	shalt  }
0x79: {  	_ =	shalt  }
0x7a: {  	_ =	shalt  }
0x7b: {  	_ =	shalt  }
0x7c: {  	_ =	shalt  }
0x7d: {  	_ =	shalt  }
0x7e: {  	_ =	shalt  }
0x7f: {  	_ =	shalt  }
0x80: {  	_ =	shalt  }
0x81: {  	_ =	shalt  }
0x82: {  	_ =	shalt  }
0x83: {  	_ =	shalt  }
0x84: {  	_ =	shalt  }
0x85: {  	_ =	shalt  }
0x86: {  	_ =	shalt  }
0x87: {  	_ =	shalt  }
.Lfunc_end0:
.L_simem_size_0:
called_computation_lowered:
.L_overlay_start_0:
0x88: {  	s2 =	sld [smem:$0x3FD9]  }
0x89: {  	s3 =	sld [smem:$0x3FFE];
	_ =	sdelay $0x1  }
0x8a: {  	s1 =	srdreg.scid  }
0x8b: {  	s0 =	sand.u32 $0x1, s1  }
0x8c: {  	s17 =	sshll.u32 s0, $0xA;
	s2 =	sadd.s32 s3, s2  }
0x8d: {  	s2 =	sadd.s32 s2, s17  }
0x8e: {  	[smem:$0x3FC3] =	sst s2  }
0x8f: {  	_ = 	snop  }
0x90: {  	s2 =	sld [smem:$0x3FC9]  }
0x91: {  	s18 =	sld [smem:$0x3FC8]  }
0x92: {  	s4 =	sld [smem:$0x3FC7]  }
0x93: {  	s5 =	sld [smem:$0x3FD0];
	(tm) =	ssettm $0x1  }
0x94: {  	s6 =	sld [smem:$0x3FFB];
	_ =	sdelay $0x3  }
0x95: {  	_ =	strace s6  }
0x96: {  	s6 =	sld [smem:$0x3FFC];
	_ =	sdelay $0x3  }
0x97: {  	_ =	strace s6  }
0x98: {  	s6 =	sld [smem:$0x3FFD];
	_ =	sdelay $0x3  }
0x99: {  	_ =	strace s6  }
0x9a: {  	_ =	strace $0x8FFFFFFF  }
0x9b: {  	s19 =	sld [smem:$0x3FDB];
	_ =	sdelay $0x1  }
0x9c: {  	s7 =	simm.s32 $_scs_section_size  }
0x9d: {  	s8 =	simm.s32 $_size__tile_overlayer_lowered;
	s9 =	simm.s32 $_tile_overlayer_lowered  }
0x9e: {  	s22 =	simm.s32 $0x1BFF;
	s21 =	sshll.u32 s9, $0x1;
	s6 =	sadd.s32 s7, s19  }
0x9f: {  	s10 =	simm.s32 $0x0;
	s20 =	sshll.u32 s8, $0x1;
	s8 =	sadd.s32 s21, s6  }
0xa0: {  	[timem:s10], [sflag:s22] =	dma.local [hbm:s8], s20  }
0xa1: {  	_ =	swait.ge [sflag:s22], s20  }
0xa2: {  	s7 =	ssub.s32 $0x0, s20;
	[sflag:s22] =	ssyncset.done $0x0  }
0xa3: {  	[sflag:s22] =	ssyncadd.s32 s7;
	_ =	sdelay $0x1  }
0xa4: {  	s23 =	simm.s32 $0x1B8B  }
0xa5: {  	_ =	swait.ge [sflag:s23], $0x1  }
0xa6: {  	[sflag:s23] =	ssyncset.done $0x0  }
0xa7: {  	s25 =	simm.s32 $0x1B8E;
	s24 =	sld [smem:$0x3FFE];
	[sflag:s23] =	ssyncadd.s32 $0xFFFFFFFF  }
0xa8: {  	s26 =	simm.s32 $execute0_lowered;
	[smem:$0x3FD2] =	sst s25  }
0xa9: {  	s8 =	sshll.u32 s26, $0x1;
	_ =	strace $0x80000046;
	[dreg:$0x1] =	wrdreg $0xFFFFFFFF  }
0xaa: {  	s28 =	simm.s32 $_size_execute0_lowered;
	s6 =	sadd.s32 s6, s8;
	[dreg:$0x0] =	wrdreg $0x0  }
0xab: {  	s8 =	sshll.u32 s28, $0x1;
	[dreg:$0x2] =	wrdreg s6  }
0xac: {  	[dreg:$0x3] =	wrdreg s8  }
0xad: {  	[dreg:$0x4] =	wrdreg $0xC0  }
0xae: {  	_ =	task [dreg:s10], $0x5FFFF  }
0xaf: {  	[dreg:$0x1] =	wrdreg $0xFFFFFFFF  }
0xb0: {  	[dreg:$0x0] =	wrdreg $0x60  }
0xb1: {  	[dreg:$0x2] =	wrdreg s24  }
0xb2: {  	[dreg:$0x3] =	wrdreg s2  }
0xb3: {  	[dreg:$0x4] =	wrdreg s4  }
0xb4: {  	[dreg:$0x5] =	wrdreg s18  }
0xb5: {  	[dreg:$0x6] =	wrdreg s5  }
0xb6: {  	[dreg:$0x7] =	wrdreg $0x0  }
0xb7: {  	[dreg:$0x8] =	wrdreg $0x9  }
0xb8: {  	_ =	task.clear_ibuf [dreg:s10], $0x9FFFF;
	_ =	strace $0x90000046  }
0xb9: {  	s29 =	simm.s32 $0x9;
	_ =	strace $0x80000048  }
0xba: {  	_ =	swait.ge [sflag:s29], $0x1  }
0xbb: {  	[sflag:s29] =	ssyncadd.s32 $0xFFFFFFFF  }
0xbc: {  	_ =	strace $0x90000048  }
0xbd: {  	_ =	sfence  }
0xbe: {  	s30 =	sld [smem:$0x0];
	_ =	sdelay $0x2  }
0xbf: {  	s31 =	sshll.u32 s1, $0xD;
	s1 =	sshrl.u32 s1, $0x2  }
0xc0: {  	s3 =	sand.u32 $0x4000, s31;
	s1 =	sadd.s32 s1, s30  }
0xc1: {  	s0 =	sor.u32 s3, s0;
	s1 =	sshll.u32 s1, $0x11  }
0xc2: {  	s0 =	sor.u32 s1, s0  }
0xc3: {  	s0 =	sadd.s32 $0x8F2B, s0  }
0xc4: {  	[sflag:s0] =	ssyncadd.remote.s32 $0x1  }
0xc5: {  	_ =	sfence.sel $0xFFFF  }
0xc6: {  	[dreg:$0x0] =	wrdreg $0xFFFFFFFF;
	(pc) =	sbr.abs _section_cstart, $3  }
0xc7: {  	[dreg:$0x1] =	wrdreg $0xFFFFFFFF  }
0xc8: {  	_ =	task.clear_ibuf [dreg:s10], $0x2FFFF;
	_ =	strace $0x9FFFFFFF  }
0xc9: {  	(tm) =	ssettm $0x7FFFFFFF  }
tec
execute0_lowered:
.L_overlay_start_1:
0x0: {  	(tag) =	ssettag $0x1  }
0x1: {  	s0 =	rddreg [dreg:$0x0]  }
0x2: {  	s1 =	rddreg [dreg:$0x1]  }
0x3: {  	s3 =	rddreg [dreg:$0x2]  }
0x4: {  	s4 =	rddreg [dreg:$0x3]  }
0x5: {  	s5 =	rddreg [dreg:$0x4];
	s2 =	simm.s32 $0x0;
	s6 =	srdreg.scid  }
0x6: {  	s7 =	stileid.u32;
	s29 =	simm.s32 $0x5;
	s31 =	simm.s32 $0x7  }
0x7: {  	[smem:$0x7FF] =	sst s2;
	s6 =	sand.u32 $0x1, s6;
	s8 =	sshll.u32 s7, $0x1  }
0x8: {  	s0 =	sadd.s32 $0x800, s0;
	p0 =	sne.s32 s7, $0x0;
	_ =	strace $0x80000047  }
0x9: {  	s9 =	ssub.s32 $0x2, s6;
	s6 =	sor.u32 s6, s8;
	[dreg:$0x7] =	wrdreg s0  }
0xa: {  	s19 =	sshrl.u32 s9, $0x1;
	s8 =	sshll.u32 s6, $0x8;
	s21 =	sshll.u32 s6, $0x4  }
0xb: {  	s22 =	sshll.u32 s6, $0xB;
	p1 =	sne.s32 s6, $0x0;
	s0 =	ssub.s32 s9, s19  }
0xc: {  	s20 =	sadd.s32 s1, s8;
	s8 =	sadd.s32 s3, s8;
	s10 =	sor.u32 $0x4, s21  }
0xd: {  	s11 =	sadd.s32 s4, s22;
	s12 =	sor.u32 $0x8, s21;
	[dreg:$0x8] =	wrdreg s20  }
0xe: {  	s9 =	sor.u32 $0xC, s21;
	s16 =	sadd.s32 s5, s22;
	[dreg:$0x9] =	wrdreg s8  }
0xf: {  	s21 =	simm.s32 $0x1;
	s22 =	simm.s32 $0x2;
	[dreg:$0xa] =	wrdreg s11  }
0x10: {  	s23 =	sshll.u32 s10, $0x4;
	s10 =	sshll.u32 s10, $0x7;
	s24 =	sshll.u32 s12, $0x4  }
0x11: {  	s30 =	sshll.u32 s12, $0x7;
	s14 =	sshll.u32 s9, $0x4;
	s9 =	sshll.u32 s9, $0x7  }
0x12: {  	s20 =	smax.u32 s0, $0x1;
	s0 =	simm.s32 $0x300;
	s13 =	sadd.s32 s1, s23  }
0x13: {  	s11 =	sadd.s32 s3, s23;
	s25 =	sadd.s32 s4, s10;
	[dreg:$0xb] =	wrdreg s13  }
0x14: {  	s26 =	sadd.s32 s1, s24;
	s28 =	sadd.s32 s3, s24;
	[dreg:$0xc] =	wrdreg s11  }
0x15: {  	s12 =	sadd.s32 s4, s30;
	s15 =	sadd.s32 s4, s9;
	[dreg:$0xd] =	wrdreg s25  }
0x16: {  	s17 =	sadd.s32 s5, s10;
	s18 =	sadd.s32 s5, s30;
	[dreg:$0xe] =	wrdreg s26  }
0x17: {  	s19 =	sadd.s32 s5, s9;
	s24 =	simm.s32 $0x3;
	[dreg:$0xf] =	wrdreg s28  }
0x18: {  	s23 =	simm.s32 $0x6;
	[dreg:$0x10] =	wrdreg s12;
	s13 =	sadd.s32 s1, s14  }
0x19: {  	vm0 =	vmmov @!p1 $0x3f;
	s14 =	sadd.s32 s3, s14;
	s26 =	simm.s32 $0x4;
	s25 =	simm.s32 $0x0  }
.LBB2_1:
0x1a: {  	s4 =	rddreg [dreg:$0x5]  }
0x1b: {  	s3 =	simm.s32 @!p0 $0x1C07;
	s5 =	rddreg [dreg:$0x7];
	s1 =	sshrl.u32 @!p0 s4, $0x3  }
0x1c: {  	[spmem:s1], [sflag:s3] =	dma.local @!p0 [hbm:s5], $0x600  }
0x1d: {  	s1 =	simm.s32 @!p0 $0x7  }
0x1e: {  	_ =	swait.ge @!p0 [sflag:s1], $0x600  }
0x1f: {  	[sflag:s1] =	ssyncset.done @!p0 $0x0  }
0x20: {  	s8 =	rddreg [dreg:$0x8];
	[sflag:s1] =	ssyncadd.s32 @!p0 $0xFFFFFA00;
	s1 =	simm.s32 $0x3300  }
0x21: {  	[tilespmem:s1], [sflag:$0x2] =	stream.linear.gather [hbm4b:s8+s2], $0x200, $0x38;
	[tilespmem:$0xC300] =	vst v63  }
0x22: {  	s3 =	simm.s32 $0x3B00;
	s9 =	rddreg [dreg:$0x9]  }
0x23: {  	[tilespmem:s3], [sflag:$0x2] =	stream.linear.gather [hbm4b:s9+s2], $0x200, $0x38;
	[tilespmem:$0xC300] =	vst v63  }
0x24: {  	s6 =	simm.s32 $0x4300;
	s10 =	rddreg [dreg:$0xa]  }
0x25: {  	[tilespmem:s6], [sflag:$0x2] =	stream.linear.gather [hbm4b:s10+s2], $0x1000, $0x38;
	[tilespmem:$0xC300] =	vst v63  }
0x26: {  	s12 =	simm.s32 $0x3500;
	s11 =	rddreg [dreg:$0xb]  }
0x27: {  	[tilespmem:s12], [sflag:$0x3] =	stream.linear.gather [hbm4b:s11+s2], $0x200, $0x38;
	[tilespmem:$0xC300] =	vst v63  }
0x28: {  	s7 =	rddreg [dreg:$0xc];
	s8 =	simm.s32 $0x3D00  }
0x29: {  	[tilespmem:s8], [sflag:$0x3] =	stream.linear.gather [hbm4b:s7+s2], $0x200, $0x38;
	[tilespmem:$0xC300] =	vst v63  }
0x2a: {  	s9 =	rddreg [dreg:$0xd];
	s10 =	simm.s32 $0x5300  }
0x2b: {  	[tilespmem:s10], [sflag:$0x3] =	stream.linear.gather [hbm4b:s9+s2], $0x1000, $0x38;
	[tilespmem:$0xC300] =	vst v63  }
0x2c: {  	s11 =	rddreg [dreg:$0xe];
	s12 =	simm.s32 $0x3700  }
0x2d: {  	[tilespmem:s12], [sflag:$0x4] =	stream.linear.gather [hbm4b:s11+s2], $0x200, $0x38;
	[tilespmem:$0xC300] =	vst v63  }
0x2e: {  	s7 =	rddreg [dreg:$0xf];
	s8 =	simm.s32 $0x3F00  }
0x2f: {  	[tilespmem:s8], [sflag:$0x4] =	stream.linear.gather [hbm4b:s7+s2], $0x200, $0x38;
	[tilespmem:$0xC300] =	vst v63  }
0x30: {  	s9 =	rddreg [dreg:$0x10];
	s10 =	simm.s32 $0x6300  }
0x31: {  	[tilespmem:s10], [sflag:$0x4] =	stream.linear.gather [hbm4b:s9+s2], $0x1000, $0x38;
	[tilespmem:$0xC300] =	vst v63  }
0x32: {  	s11 =	simm.s32 $0x3900  }
0x33: {  	[tilespmem:s11], [sflag:$0x5] =	stream.linear.gather [hbm4b:s13+s2], $0x200, $0x38;
	[tilespmem:$0xC300] =	vst v63  }
0x34: {  	s12 =	simm.s32 $0x4100  }
0x35: {  	[tilespmem:s12], [sflag:$0x5] =	stream.linear.gather [hbm4b:s14+s2], $0x200, $0x38;
	[tilespmem:$0xC300] =	vst v63  }
0x36: {  	s6 =	simm.s32 $0x7300  }
0x37: {  	[tilespmem:s6], [sflag:$0x5] =	stream.linear.gather [hbm4b:s15+s2], $0x1000, $0x38;
	[tilespmem:$0xC300] =	vst v63  }
0x38: {  	[bflag:$0x0] =	sbarrier.arrive $0xFFFF  }
0x39: {  	[tilespmem:s0], [sflag:$0x1] =	stream.linear.gather [spmem:s4], $0x3000, $0x38;
	[tilespmem:$0xC300] =	vst v63  }
0x3a: {  	_ =	swait.ge [sflag:s21], $0x3000  }
0x3b: {  	[sflag:s21] =	ssyncset.done $0x0  }
0x3c: {  	[sflag:s21] =	ssyncadd.s32 $0xFFFFD000  }
0x3d: {  	_ =	swait.ge [sflag:s22], $0x200  }
0x3e: {  	[sflag:s22] =	ssyncset.done $0x0  }
0x3f: {  	[sflag:s22] =	ssyncadd.s32 $0xFFFFFE00  }
0x40: {  	_ =	swait.ge [sflag:s22], $0x200  }
0x41: {  	[sflag:s22] =	ssyncset.done $0x0  }
0x42: {  	[sflag:s22] =	ssyncadd.s32 $0xFFFFFE00  }
0x43: {  	_ =	swait.ge [sflag:s22], $0x1000  }
0x44: {  	[sflag:s22] =	ssyncset.done $0x0  }
0x45: {  	[sflag:s22] =	ssyncadd.s32 $0xFFFFF000  }
0x46: {  	v1 =	vld [tilespmem:s3+$0x0]  }
0x47: {  	s7 =	simm.s32 $0x0;
	v2 =	vld [tilespmem:s1+$0x0]  }
0x48: {  	s8 =	sor.u32 s2, s7  }
0x49: {  	s9 =	sand.u32 $0x70, s7;
	s10 =	sand.u32 $0xC00, s2;
	s28 =	sor.u32 $0x380, s8  }
0x4a: {  	s30 =	sor.u32 s9, s10;
	v0 =	vld [tilespmem:s28+$0x4300]  }
0x4b: {  	v13 =	vld [tilespmem:s30+$0x4300];
	vm1 =	veq.s32 v1, $0x1  }
0x4c: {  	s11 =	sor.u32 s10, s7;
	v4 =	vld [tilespmem:s30+$0x4400];
	v3 =	vnsel vm1, $0x3F8, v2  }
0x4d: {  	s1 =	sor.u32 $0x180, s11;
	v15 =	vld [tilespmem:s30+$0x4500];
	v5 =	vadd.s32 $0x2C00, v3  }
0x4e: {  	v11 =	vld [tilespmem:s1+$0x4300];
	v6 =	vadd.s32 $0x1800, v3  }
0x4f: {  	v1 =	vld [tilespmem:s30+$0x4380];
	v7 =	vadd.s32 $0x1C00, v3  }
0x50: {  	v2 =	vld [tilespmem:s30+$0x4580];
	v8 =	vadd.s32 $0x1000, v3  }
0x51: {  	v9 =	vadd.s32 $0xC00, v3;
	v10 =	vld.idx.msk [tilespmem:v3+s0+$0x0], $0xffff  }
0x52: {  	v12 =	vadd.s32 $0x800, v3;
	v16 =	vld.idx.msk [tilespmem:v5+s0+$0x0], $0xffff  }
0x53: {  	v14 =	vadd.s32 $0x1400, v3;
	v17 =	vld.idx.msk [tilespmem:v6+s0+$0x0], $0xffff  }
0x54: {  	v5 =	vadd.s32 $0x400, v3;
	v7 =	vld.idx.msk [tilespmem:v7+s0+$0x0], $0xffff  }
0x55: {  	v6 =	vadd.s32 $0x2400, v3;
	v18 =	vld.idx.msk [tilespmem:v8+s0+$0x0], $0xffff  }
0x56: {  	v19 =	vld.idx.msk [tilespmem:v9+s0+$0x0], $0xffff  }
0x57: {  	v9 =	vadd.s32 $0x2800, v3;
	v12 =	vld.idx.msk [tilespmem:v12+s0+$0x0], $0xffff  }
0x58: {  	v8 =	vld.idx.msk [tilespmem:v14+s0+$0x0], $0xffff  }
0x59: {  	v3 =	vadd.s32 $0x2000, v3;
	v20 =	vld.idx.msk [tilespmem:v5+s0+$0x0], $0xffff  }
0x5a: {  	s4 =	simm.s32 $0x3B10;
	v21 =	vld.idx.msk [tilespmem:v6+s0+$0x0], $0xffff  }
0x5b: {  	v14 =	vld [tilespmem:s4+$0x0]  }
0x5c: {  	s7 =	simm.s32 $0x3310;
	v9 =	vld.idx.msk [tilespmem:v9+s0+$0x0], $0xffff;
	v6 =	vmul.f32 v10, v11  }
0x5d: {  	s5 =	simm.s32 $0x10;
	s6 =	simm.s32 $0x80;
	v5 =	vmul.f32 v7, v15;
	v10 =	vmul.f32 v19, v11;
	v19 =	vadd.f32 v16, v4;
	v16 =	vld [tilespmem:s7+$0x0]  }
0x5e: {  	s8 =	sand.u32 $0x70, s5;
	s12 =	sor.u32 s6, s5;
	v4 =	vld.idx.msk [tilespmem:v3+s0+$0x0], $0xffff;
	v11 =	vmul.f32 v17, v11;
	v7 =	vmul.f32 v12, v2  }
0x5f: {  	s9 =	simm.s32 $0x10;
	s11 =	sand.u32 $0xC00, s6;
	s3 =	sor.u32 $0x380, s12;
	v3 =	vld [tilespmem:s30+$0x4600];
	v12 =	vmul.f32 v18, v15;
	[tilespmem:s30+$0x8400] =	vst v19;
	v13 =	vadd.f32 v21, v13;
	v15 =	vmul.f32 v20, v15  }
.LBB2_2:
0x60: {  	s5 =	sadd.s32 $0x10, s5;
	s12 =	sor.u32 s8, s11;
	v17 =	vld [tilespmem:s3+$0x4300];
	s6 =	sadd.s32 $0x80, s6;
	v8 =	vmul.f32 v8, v2  }
0x61: {  	v9 =	vadd.f32 v9, v1;
	s8 =	sand.u32 $0x70, s5;
	s10 =	sor.u32 s6, s5;
	p2 =	slt.u32 s5, $0x1F0;
	vm1 =	veq.s32 v14, $0x1;
	v1 =	vld [tilespmem:s12+$0x4380];
	v6 =	vadd.f32 v15, v6;
	[tilespmem:s30+$0x8300] =	vst v13  }
0x62: {  	v10 =	vadd.f32 v12, v10;
	v5 =	vadd.f32 v5, v11;
	v13 =	vnsel vm1, $0x3F8, v16;
	v15 =	vld [tilespmem:s12+$0x4300]  }
0x63: {  	v12 =	vld [tilespmem:s12+$0x4400];
	v11 =	vadd.s32 $0x1800, v13;
	v14 =	vadd.s32 $0x1C00, v13;
	v16 =	vadd.s32 $0x2C00, v13;
	[tilespmem:s30+$0x8380] =	vst v9  }
0x64: {  	s11 =	sor.u32 s11, s9;
	s9 =	smov.u32 s5;
	v18 =	vadd.s32 $0x400, v13;
	v19 =	vadd.s32 $0x2400, v13;
	v6 =	vadd.f32 v7, v6;
	v9 =	vld [tilespmem:s12+$0x4580]  }
0x65: {  	s11 =	sor.u32 $0x180, s11;
	v8 =	vadd.f32 v8, v10;
	v7 =	vadd.s32 $0x800, v13;
	v21 =	vadd.s32 $0x2000, v13;
	v20 =	vld [tilespmem:s12+$0x4500]  }
0x66: {  	v10 =	vadd.s32 $0x1000, v13;
	v23 =	vadd.s32 $0x1400, v13;
	v25 =	vmul.f32 v4, v2;
	v22 =	vld [tilespmem:s11+$0x4300];
	[tilespmem:s1+$0x8300] =	vst v6;
	s1 =	smov.u32 s11  }
0x67: {  	v6 =	vadd.s32 $0xC00, v13;
	v4 =	vld.idx.msk [tilespmem:v13+s0+$0x0], $0xffff;
	[tilespmem:s30+$0x8500] =	vst v8  }
0x68: {  	v5 =	vadd.f32 v25, v5;
	v24 =	vld.idx.msk [tilespmem:v16+s0+$0x0], $0xffff;
	[tilespmem:s30+$0x8600] =	vst v3  }
0x69: {  	v3 =	vld.idx.msk [tilespmem:v11+s0+$0x0], $0xffff;
	v2 =	vmov v9  }
0x6a: {  	v9 =	vld.idx.msk [tilespmem:v14+s0+$0x0], $0xffff;
	[tilespmem:s30+$0x8580] =	vst v5;
	s30 =	smov.u32 s12  }
0x6b: {  	v25 =	vld.idx.msk [tilespmem:v10+s0+$0x0], $0xffff;
	[tilespmem:s28+$0x8300] =	vst v0;
	v0 =	vmov v17;
	s28 =	smov.u32 s3  }
0x6c: {  	v11 =	vadd.s32 $0x2800, v13;
	v10 =	vld.idx.msk [tilespmem:v6+s0+$0x0], $0xffff  }
0x6d: {  	v7 =	vld.idx.msk [tilespmem:v7+s0+$0x0], $0xffff  }
0x6e: {  	v6 =	vmul.f32 v4, v22;
	v17 =	vld.idx.msk [tilespmem:v18+s0+$0x0], $0xffff  }
0x6f: {  	v13 =	vld.idx.msk [tilespmem:v19+s0+$0x0], $0xffff  }
0x70: {  	v5 =	vmul.f32 v9, v20;
	v8 =	vld.idx.msk [tilespmem:v23+s0+$0x0], $0xffff  }
.Ltmp0:
0x71: {  	s4 =	sadd.s32 $0x10, s4;
	v9 =	vld.idx.msk [tilespmem:v11+s0+$0x0], $0xffff;
	(pc) =	sbr.rel @p2 .LBB2_2-.Ltmp0, $4  }
0x72: {  	s7 =	sadd.s32 $0x10, s7;
	v10 =	vmul.f32 v10, v22;
	v11 =	vmul.f32 v3, v22;
	v14 =	vld [tilespmem:s4+$0x0]  }
0x73: {  	v18 =	vadd.f32 v24, v12;
	v7 =	vmul.f32 v7, v2;
	v16 =	vld [tilespmem:s7+$0x0]  }
0x74: {  	v12 =	vmul.f32 v25, v20;
	v4 =	vld.idx.msk [tilespmem:v21+s0+$0x0], $0xffff  }
0x75: {  	s11 =	sand.u32 $0xC00, s6;
	s3 =	sor.u32 $0x380, s10;
	v13 =	vadd.f32 v13, v15;
	v15 =	vmul.f32 v17, v20;
	v3 =	vld [tilespmem:s30+$0x4600];
	[tilespmem:s30+$0x8400] =	vst v18  }
0x76: {  	s4 =	sor.u32 s8, s11  }
0x77: {  	vm1 =	veq.s32 v14, $0x1;
	v14 =	vld [tilespmem:s4+$0x4380]  }
0x78: {  	v17 =	vld [tilespmem:s4+$0x4300];
	v16 =	vnsel vm1, $0x3F8, v16  }
0x79: {  	v18 =	vld [tilespmem:s4+$0x4400];
	v19 =	vadd.s32 $0x2C00, v16  }
0x7a: {  	s5 =	sor.u32 s11, s9;
	v21 =	vld [tilespmem:s4+$0x4580];
	v20 =	vadd.s32 $0x1800, v16  }
0x7b: {  	s5 =	sor.u32 $0x180, s5;
	v23 =	vld [tilespmem:s4+$0x4500];
	v22 =	vadd.s32 $0x1C00, v16  }
0x7c: {  	v24 =	vld [tilespmem:s5+$0x4300];
	v25 =	vadd.s32 $0x1000, v16  }
0x7d: {  	v27 =	vadd.s32 $0xC00, v16;
	v26 =	vld.idx.msk [tilespmem:v16+s0+$0x0], $0xffff  }
0x7e: {  	v28 =	vadd.s32 $0x800, v16;
	v19 =	vld.idx.msk [tilespmem:v19+s0+$0x0], $0xffff  }
0x7f: {  	v29 =	vadd.s32 $0x400, v16;
	v20 =	vld.idx.msk [tilespmem:v20+s0+$0x0], $0xffff  }
0x80: {  	v30 =	vadd.s32 $0x2400, v16;
	v22 =	vld.idx.msk [tilespmem:v22+s0+$0x0], $0xffff  }
0x81: {  	v31 =	vadd.s32 $0x1400, v16;
	v25 =	vld.idx.msk [tilespmem:v25+s0+$0x0], $0xffff  }
0x82: {  	v32 =	vadd.s32 $0x2800, v16;
	v27 =	vld.idx.msk [tilespmem:v27+s0+$0x0], $0xffff  }
0x83: {  	v1 =	vadd.f32 v9, v1;
	v6 =	vadd.f32 v15, v6;
	v9 =	vld.idx.msk [tilespmem:v28+s0+$0x0], $0xffff  }
0x84: {  	v10 =	vadd.f32 v12, v10;
	v8 =	vmul.f32 v8, v2;
	v12 =	vadd.s32 $0x2000, v16;
	v15 =	vld.idx.msk [tilespmem:v29+s0+$0x0], $0xffff  }
0x85: {  	v5 =	vadd.f32 v5, v11;
	[tilespmem:s30+$0x8300] =	vst v13;
	v6 =	vadd.f32 v7, v6;
	v7 =	vld.idx.msk [tilespmem:v30+s0+$0x0], $0xffff  }
0x86: {  	[tilespmem:s30+$0x8380] =	vst v1;
	v1 =	vadd.f32 v8, v10;
	v2 =	vmul.f32 v4, v2;
	v4 =	vld.idx.msk [tilespmem:v31+s0+$0x0], $0xffff  }
0x87: {  	[tilespmem:s1+$0x8300] =	vst v6;
	v6 =	vld.idx.msk [tilespmem:v32+s0+$0x0], $0xffff  }
0x88: {  	[tilespmem:s30+$0x8500] =	vst v1;
	v1 =	vadd.f32 v2, v5;
	v2 =	vmul.f32 v26, v24;
	v5 =	vmul.f32 v22, v23  }
0x89: {  	[tilespmem:s30+$0x8600] =	vst v3;
	v8 =	vld.idx.msk [tilespmem:v12+s0+$0x0], $0xffff;
	v3 =	vmul.f32 v27, v24;
	v10 =	vmul.f32 v15, v23  }
0x8a: {  	[tilespmem:s30+$0x8580] =	vst v1;
	v1 =	vmul.f32 v20, v24;
	v11 =	vadd.f32 v19, v18;
	v12 =	vmul.f32 v25, v23  }
0x8b: {  	v13 =	vld [tilespmem:s3+$0x4300];
	[tilespmem:s28+$0x8300] =	vst v0;
	v0 =	vmul.f32 v9, v21;
	v7 =	vadd.f32 v7, v17;
	v2 =	vadd.f32 v10, v2  }
0x8c: {  	v9 =	vld [tilespmem:s4+$0x4600];
	v4 =	vmul.f32 v4, v21;
	v6 =	vadd.f32 v6, v14;
	[tilespmem:s4+$0x8400] =	vst v11;
	v3 =	vadd.f32 v12, v3  }
0x8d: {  	[tilespmem:s4+$0x8300] =	vst v7;
	v0 =	vadd.f32 v0, v2  }
0x8e: {  	v1 =	vadd.f32 v5, v1;
	[tilespmem:s4+$0x8380] =	vst v6;
	v2 =	vadd.f32 v4, v3;
	v3 =	vmul.f32 v8, v21  }
0x8f: {  	[tilespmem:s5+$0x8300] =	vst v0  }
0x90: {  	v0 =	vadd.f32 v3, v1;
	[tilespmem:s4+$0x8500] =	vst v2  }
0x91: {  	[tilespmem:s4+$0x8600] =	vst v9  }
0x92: {  	[tilespmem:s4+$0x8580] =	vst v0  }
0x93: {  	[tilespmem:s3+$0x8300] =	vst v13  }
0x94: {  	v0 =	vld @!p1 [tilespmem:$0x8600]  }
0x95: {  	v1 =	vld @!p1 [tilespmem:$0x8680];
	_ =	sdelay $0x3  }
0x96: {  	v0 =	vsel @!p1 vm0, $0x0, v0  }
0x97: {  	[tilespmem:$0x8600] =	vst @!p1 v0;
	v0 =	vsel @!p1 vm0, $0x0, v1  }
0x98: {  	s10 =	simm.s32 $0x8300;
	[tilespmem:$0x8680] =	vst @!p1 v0  }
0x99: {  	[hbm4b:s16+s2] =	stream.linear.scatter [tilespmem:s10], [sflag:$0x6], $0x1000, $0x38;
	[tilespmem:$0xC300] =	vst v63  }
0x9a: {  	_ =	swait.ge [sflag:s24], $0x200  }
0x9b: {  	[sflag:s24] =	ssyncset.done $0x0  }
0x9c: {  	[sflag:s24] =	ssyncadd.s32 $0xFFFFFE00  }
0x9d: {  	_ =	swait.ge [sflag:s24], $0x200  }
0x9e: {  	[sflag:s24] =	ssyncset.done $0x0  }
0x9f: {  	[sflag:s24] =	ssyncadd.s32 $0xFFFFFE00  }
0xa0: {  	_ =	swait.ge [sflag:s24], $0x1000  }
0xa1: {  	[sflag:s24] =	ssyncset.done $0x0  }
0xa2: {  	s11 =	simm.s32 $0x3D00;
	[sflag:s24] =	ssyncadd.s32 $0xFFFFF000  }
0xa3: {  	s12 =	simm.s32 $0x1000;
	s6 =	simm.s32 $0x3500;
	s7 =	simm.s32 $0x200;
	v2 =	vld [tilespmem:s11+$0x0]  }
0xa4: {  	s8 =	sor.u32 s12, s7;
	v3 =	vld [tilespmem:s6+$0x0]  }
0xa5: {  	s9 =	sand.u32 $0x70, s7;
	s28 =	sor.u32 $0x380, s8;
	s3 =	sand.u32 $0x1C00, s12  }
0xa6: {  	s30 =	sor.u32 s9, s3;
	v0 =	vld [tilespmem:s28+$0x4300]  }
0xa7: {  	v1 =	vld [tilespmem:s30+$0x4300]  }
0xa8: {  	v20 =	vld [tilespmem:s30+$0x4600];
	vm1 =	veq.s32 v2, $0x1  }
0xa9: {  	v18 =	vld [tilespmem:s30+$0x4500];
	v7 =	vnsel vm1, $0x3F8, v3  }
0xaa: {  	s4 =	simm.s32 $0x3510;
	v4 =	vld [tilespmem:s30+$0x4480];
	v6 =	vadd.s32 $0x400, v7  }
0xab: {  	v5 =	vld [tilespmem:s4+$0x0];
	v8 =	vadd.s32 $0x1000, v7  }
0xac: {  	v2 =	vld [tilespmem:s30+$0x4580];
	v9 =	vadd.s32 $0x800, v7  }
0xad: {  	v3 =	vld [tilespmem:s30+$0x4380];
	v10 =	vadd.s32 $0x2000, v7  }
0xae: {  	v11 =	vadd.s32 $0x1C00, v7;
	v14 =	vld.idx.msk [tilespmem:v7+s0+$0x0], $0xffff  }
0xaf: {  	v12 =	vadd.s32 $0x1800, v7;
	v15 =	vld.idx.msk [tilespmem:v6+s0+$0x0], $0xffff  }
0xb0: {  	v13 =	vadd.s32 $0xC00, v7;
	v16 =	vld.idx.msk [tilespmem:v8+s0+$0x0], $0xffff  }
0xb1: {  	v17 =	vadd.s32 $0x1400, v7;
	v8 =	vld.idx.msk [tilespmem:v9+s0+$0x0], $0xffff  }
0xb2: {  	v9 =	vadd.s32 $0x2800, v7;
	v6 =	vld.idx.msk [tilespmem:v10+s0+$0x0], $0xffff  }
0xb3: {  	v63 =	vld.idx.msk [tilespmem:v11+s0+$0x0], $0xffff;
	v11 =	vadd.s32 $0x2400, v7  }
0xb4: {  	v19 =	vld.idx.msk [tilespmem:v12+s0+$0x0], $0xffff  }
0xb5: {  	v7 =	vadd.s32 $0x2C00, v7;
	v12 =	vld.idx.msk [tilespmem:v13+s0+$0x0], $0xffff  }
0xb6: {  	v10 =	vld.idx.msk [tilespmem:v17+s0+$0x0], $0xffff  }
0xb7: {  	v13 =	vld.idx.msk [tilespmem:v9+s0+$0x0], $0xffff  }
0xb8: {  	s7 =	simm.s32 $0x3D10;
	v9 =	vld.idx.msk [tilespmem:v11+s0+$0x0], $0xffff  }
0xb9: {  	s5 =	simm.s32 $0x210;
	s6 =	simm.s32 $0x1080;
	v17 =	vmul.f32 v15, v18;
	v15 =	vmul.f32 v19, v4;
	v19 =	vld [tilespmem:s7+$0x0]  }
0xba: {  	s10 =	sand.u32 $0x70, s5;
	s11 =	sand.u32 $0x1C00, s6;
	s12 =	sor.u32 s6, s5;
	v14 =	vmul.f32 v14, v4;
	v8 =	vmul.f32 v8, v2;
	v7 =	vld.idx.msk [tilespmem:v7+s0+$0x0], $0xffff  }
0xbb: {  	s1 =	sor.u32 s10, s11;
	s3 =	sor.u32 $0x380, s12;
	v11 =	vld [tilespmem:s30+$0x4400];
	v16 =	vmul.f32 v16, v18;
	v18 =	vmul.f32 v63, v18;
	[tilespmem:s30+$0x8600] =	vst v20  }
.LBB2_4:
0xbc: {  	s5 =	sadd.s32 $0x10, s5;
	v20 =	vld [tilespmem:s3+$0x4300];
	s6 =	sadd.s32 $0x80, s6;
	v3 =	vadd.f32 v13, v3;
	v4 =	vmul.f32 v12, v4;
	v6 =	vmul.f32 v6, v2  }
0xbd: {  	v13 =	vadd.f32 v17, v14;
	v10 =	vmul.f32 v10, v2;
	s8 =	sand.u32 $0x70, s5;
	s9 =	sand.u32 $0x1C00, s6;
	p2 =	slt.u32 s5, $0x3F0;
	v12 =	vld [tilespmem:s1+$0x4300];
	v2 =	vadd.f32 v18, v15  }
0xbe: {  	v1 =	vadd.f32 v9, v1;
	s8 =	sor.u32 s8, s9;
	vm1 =	veq.s32 v19, $0x1;
	v21 =	vld [tilespmem:s1+$0x4600];
	v4 =	vadd.f32 v16, v4;
	[tilespmem:s30+$0x8380] =	vst v3  }
0xbf: {  	v9 =	vnsel vm1, $0x3F8, v5;
	v3 =	vld [tilespmem:s1+$0x4380];
	v5 =	vadd.f32 v8, v13;
	v6 =	vadd.f32 v6, v2  }
0xc0: {  	v18 =	vld [tilespmem:s1+$0x4500];
	v8 =	vadd.s32 $0x400, v9;
	v13 =	vadd.s32 $0xC00, v9;
	v7 =	vadd.f32 v7, v11;
	[tilespmem:s30+$0x8300] =	vst v1  }
0xc1: {  	v11 =	vadd.s32 $0x1000, v9;
	v14 =	vadd.s32 $0x1800, v9;
	v10 =	vadd.f32 v10, v4;
	v2 =	vld [tilespmem:s1+$0x4580];
	[tilespmem:s30+$0x8480] =	vst v5  }
0xc2: {  	s4 =	sadd.s32 $0x10, s4;
	v15 =	vadd.s32 $0x800, v9;
	v16 =	vadd.s32 $0x1C00, v9;
	v17 =	vadd.s32 $0x2000, v9;
	v4 =	vld [tilespmem:s1+$0x4480];
	[tilespmem:s30+$0x8400] =	vst v7;
	v1 =	vmovc v12  }
0xc3: {  	v5 =	vld [tilespmem:s4+$0x0];
	[tilespmem:s30+$0x8500] =	vst v10  }
0xc4: {  	v7 =	vld.idx.msk [tilespmem:v9+s0+$0x0], $0xffff;
	[tilespmem:s30+$0x8580] =	vst v6;
	s30 =	smov.u32 s1;
	s1 =	smov.u32 s8  }
0xc5: {  	v22 =	vld.idx.msk [tilespmem:v8+s0+$0x0], $0xffff;
	[tilespmem:s28+$0x8300] =	vst v0;
	v0 =	vmov v20;
	s28 =	smov.u32 s3  }
0xc6: {  	v20 =	vld.idx.msk [tilespmem:v11+s0+$0x0], $0xffff  }
0xc7: {  	v10 =	vadd.s32 $0x2800, v9;
	v8 =	vld.idx.msk [tilespmem:v15+s0+$0x0], $0xffff  }
0xc8: {  	v11 =	vadd.s32 $0x1400, v9;
	v6 =	vld.idx.msk [tilespmem:v17+s0+$0x0], $0xffff  }
0xc9: {  	v15 =	vadd.s32 $0x2400, v9;
	v23 =	vld.idx.msk [tilespmem:v16+s0+$0x0], $0xffff  }
0xca: {  	v16 =	vld.idx.msk [tilespmem:v14+s0+$0x0], $0xffff  }
0xcb: {  	v17 =	vadd.s32 $0x2C00, v9;
	v12 =	vld.idx.msk [tilespmem:v13+s0+$0x0], $0xffff  }
0xcc: {  	v13 =	vld.idx.msk [tilespmem:v10+s0+$0x0], $0xffff  }
.Ltmp1:
0xcd: {  	v10 =	vld.idx.msk [tilespmem:v11+s0+$0x0], $0xffff;
	(pc) =	sbr.rel @p2 .LBB2_4-.Ltmp1, $4  }
0xce: {  	s7 =	sadd.s32 $0x10, s7;
	v9 =	vld.idx.msk [tilespmem:v15+s0+$0x0], $0xffff  }
0xcf: {  	v14 =	vmul.f32 v7, v4;
	v8 =	vmul.f32 v8, v2;
	v19 =	vld [tilespmem:s7+$0x0]  }
0xd0: {  	s3 =	sor.u32 s6, s5;
	v15 =	vmul.f32 v16, v4;
	v7 =	vld.idx.msk [tilespmem:v17+s0+$0x0], $0xffff;
	v17 =	vmul.f32 v22, v18  }
0xd1: {  	s3 =	sor.u32 $0x380, s3;
	v16 =	vmul.f32 v20, v18;
	v18 =	vmul.f32 v23, v18;
	v11 =	vld [tilespmem:s30+$0x4400];
	[tilespmem:s30+$0x8600] =	vst v21  }
0xd2: {  	_ = 	snop  }
0xd3: {  	v20 =	vld [tilespmem:s1+$0x4300]  }
0xd4: {  	v21 =	vld [tilespmem:s1+$0x4380];
	vm1 =	veq.s32 v19, $0x1  }
0xd5: {  	v23 =	vld [tilespmem:s1+$0x4500];
	v5 =	vnsel vm1, $0x3F8, v5  }
0xd6: {  	v25 =	vld [tilespmem:s1+$0x4580];
	v22 =	vadd.s32 $0x400, v5  }
0xd7: {  	v27 =	vld [tilespmem:s1+$0x4480];
	v24 =	vadd.s32 $0x1000, v5;
	v7 =	vadd.f32 v7, v11  }
0xd8: {  	v19 =	vld [tilespmem:s1+$0x4600];
	v26 =	vadd.s32 $0x800, v5  }
0xd9: {  	v28 =	vadd.s32 $0x2000, v5;
	[tilespmem:s30+$0x8400] =	vst v7;
	v7 =	vld [tilespmem:s1+$0x4400]  }
0xda: {  	v29 =	vadd.s32 $0x1C00, v5;
	v30 =	vld.idx.msk [tilespmem:v5+s0+$0x0], $0xffff  }
0xdb: {  	v31 =	vadd.s32 $0x1800, v5;
	v22 =	vld.idx.msk [tilespmem:v22+s0+$0x0], $0xffff  }
0xdc: {  	v32 =	vadd.s32 $0xC00, v5;
	v24 =	vld.idx.msk [tilespmem:v24+s0+$0x0], $0xffff  }
0xdd: {  	v33 =	vadd.s32 $0x2800, v5;
	v26 =	vld.idx.msk [tilespmem:v26+s0+$0x0], $0xffff  }
0xde: {  	v3 =	vadd.f32 v13, v3;
	v4 =	vmul.f32 v12, v4;
	v60 =	vadd.s32 $0x2400, v5;
	v28 =	vld.idx.msk [tilespmem:v28+s0+$0x0], $0xffff  }
0xdf: {  	v12 =	vadd.f32 v17, v14;
	v6 =	vmul.f32 v6, v2;
	v34 =	vadd.s32 $0x1400, v5;
	v13 =	vld.idx.msk [tilespmem:v29+s0+$0x0], $0xffff  }
0xe0: {  	v2 =	vmul.f32 v10, v2;
	v1 =	vadd.f32 v9, v1;
	v5 =	vadd.s32 $0x2C00, v5;
	v14 =	vld.idx.msk [tilespmem:v31+s0+$0x0], $0xffff  }
0xe1: {  	v4 =	vadd.f32 v16, v4;
	[tilespmem:s30+$0x8380] =	vst v3;
	v3 =	vadd.f32 v8, v12;
	v9 =	vld.idx.msk [tilespmem:v32+s0+$0x0], $0xffff  }
0xe2: {  	v10 =	vadd.f32 v18, v15;
	v8 =	vld.idx.msk [tilespmem:v33+s0+$0x0], $0xffff  }
0xe3: {  	v2 =	vadd.f32 v2, v4;
	[tilespmem:s30+$0x8480] =	vst v3;
	v3 =	vld.idx.msk [tilespmem:v60+s0+$0x0], $0xffff  }
0xe4: {  	[tilespmem:s30+$0x8300] =	vst v1;
	v4 =	vadd.f32 v6, v10;
	v1 =	vld.idx.msk [tilespmem:v34+s0+$0x0], $0xffff  }
0xe5: {  	[tilespmem:s30+$0x8500] =	vst v2;
	v5 =	vld.idx.msk [tilespmem:v5+s0+$0x0], $0xffff;
	v2 =	vmul.f32 v30, v27;
	v6 =	vmul.f32 v22, v23  }
0xe6: {  	[tilespmem:s30+$0x8580] =	vst v4;
	v4 =	vmul.f32 v26, v25;
	v10 =	vmul.f32 v24, v23  }
0xe7: {  	[tilespmem:s28+$0x8300] =	vst v0;
	v0 =	vadd.f32 v8, v21;
	v8 =	vmul.f32 v9, v27;
	v2 =	vadd.f32 v6, v2  }
0xe8: {  	v11 =	vld [tilespmem:s3+$0x4300];
	[tilespmem:s1+$0x8600] =	vst v19;
	v9 =	vmul.f32 v13, v23;
	v3 =	vadd.f32 v3, v20;
	v6 =	vmul.f32 v14, v27  }
0xe9: {  	v1 =	vmul.f32 v1, v25;
	v8 =	vadd.f32 v10, v8;
	[tilespmem:s1+$0x8380] =	vst v0;
	v0 =	vadd.f32 v4, v2  }
0xea: {  	[tilespmem:s1+$0x8300] =	vst v3;
	v2 =	vmul.f32 v28, v25;
	v4 =	vadd.f32 v9, v6;
	v5 =	vadd.f32 v5, v7  }
0xeb: {  	v1 =	vadd.f32 v1, v8;
	[tilespmem:s1+$0x8480] =	vst v0  }
0xec: {  	v0 =	vadd.f32 v2, v4;
	[tilespmem:s1+$0x8400] =	vst v5  }
0xed: {  	[tilespmem:s1+$0x8500] =	vst v1  }
0xee: {  	[tilespmem:s1+$0x8580] =	vst v0  }
0xef: {  	s8 =	simm.s32 $0x0;
	s9 =	simm.s32 $0x9300;
	[tilespmem:s3+$0x8300] =	vst v11  }
0xf0: {  	[hbm4b:s17+s8] =	stream.linear.scatter [tilespmem:s9], [sflag:$0x6], $0x1000, $0x38;
	[tilespmem:$0xC300] =	vst v63  }
0xf1: {  	_ =	swait.ge [sflag:s26], $0x200  }
0xf2: {  	[sflag:s26] =	ssyncset.done $0x0  }
0xf3: {  	[sflag:s26] =	ssyncadd.s32 $0xFFFFFE00  }
0xf4: {  	_ =	swait.ge [sflag:s26], $0x200  }
0xf5: {  	[sflag:s26] =	ssyncset.done $0x0  }
0xf6: {  	[sflag:s26] =	ssyncadd.s32 $0xFFFFFE00  }
0xf7: {  	s10 =	simm.s32 $0x2000;
	_ =	swait.ge [sflag:s26], $0x1000  }
0xf8: {  	s4 =	simm.s32 $0x3F00;
	s5 =	simm.s32 $0x3700;
	[sflag:s26] =	ssyncset.done $0x0  }
0xf9: {  	s6 =	simm.s32 $0x400;
	s1 =	sand.u32 $0x7, s8;
	[sflag:s26] =	ssyncadd.s32 $0xFFFFF000  }
0xfa: {  	s6 =	sand.u32 $0x70, s6;
	s1 =	sshll.u32 s1, $0x4;
	s3 =	sand.u32 $0x3C00, s10;
	v2 =	vld [tilespmem:s4+$0x0]  }
0xfb: {  	s1 =	sadd.s32 $0x2000, s1;
	s30 =	sor.u32 s6, s3;
	v4 =	vld [tilespmem:s5+$0x0]  }
0xfc: {  	s28 =	sor.u32 $0x380, s1;
	v1 =	vld [tilespmem:s30+$0x4400]  }
0xfd: {  	v0 =	vld [tilespmem:s28+$0x4300]  }
0xfe: {  	v3 =	vld [tilespmem:s30+$0x4380]  }
0xff: {  	v19 =	vld [tilespmem:s30+$0x4600];
	vm1 =	veq.s32 v2, $0x1  }
0x100: {  	v16 =	vld [tilespmem:s30+$0x4500];
	v6 =	vnsel vm1, $0x3F8, v4  }
0x101: {  	v13 =	vld [tilespmem:s30+$0x4480];
	s4 =	simm.s32 $0x3710;
	v7 =	vadd.s32 $0x400, v6  }
0x102: {  	v5 =	vld [tilespmem:s4+$0x0];
	v8 =	vadd.s32 $0x1800, v6  }
0x103: {  	v2 =	vld [tilespmem:s30+$0x4300];
	v9 =	vadd.s32 $0x800, v6  }
0x104: {  	v4 =	vld [tilespmem:s30+$0x4580];
	v10 =	vadd.s32 $0x2000, v6  }
0x105: {  	v11 =	vadd.s32 $0x1C00, v6;
	v14 =	vld.idx.msk [tilespmem:v6+s0+$0x0], $0xffff  }
0x106: {  	v12 =	vadd.s32 $0xC00, v6;
	v17 =	vld.idx.msk [tilespmem:v7+s0+$0x0], $0xffff  }
0x107: {  	v20 =	vadd.s32 $0x1400, v6;
	v18 =	vld.idx.msk [tilespmem:v8+s0+$0x0], $0xffff  }
0x108: {  	v7 =	vadd.s32 $0x1000, v6;
	v9 =	vld.idx.msk [tilespmem:v9+s0+$0x0], $0xffff  }
0x109: {  	v15 =	vadd.s32 $0x2800, v6;
	v8 =	vld.idx.msk [tilespmem:v10+s0+$0x0], $0xffff  }
0x10a: {  	v61 =	vld.idx.msk [tilespmem:v11+s0+$0x0], $0xffff;
	v11 =	vadd.s32 $0x2400, v6  }
0x10b: {  	v62 =	vld.idx.msk [tilespmem:v12+s0+$0x0], $0xffff  }
0x10c: {  	v6 =	vadd.s32 $0x2C00, v6;
	v10 =	vld.idx.msk [tilespmem:v20+s0+$0x0], $0xffff  }
0x10d: {  	v63 =	vld.idx.msk [tilespmem:v7+s0+$0x0], $0xffff  }
0x10e: {  	s11 =	simm.s32 $0x1;
	s7 =	simm.s32 $0x3F10;
	v7 =	vld.idx.msk [tilespmem:v15+s0+$0x0], $0xffff  }
0x10f: {  	s6 =	simm.s32 $0x2080;
	s1 =	sand.u32 $0x7, s11;
	s5 =	simm.s32 $0x410;
	v20 =	vmul.f32 v14, v13;
	v11 =	vld.idx.msk [tilespmem:v11+s0+$0x0], $0xffff  }
0x110: {  	s8 =	sand.u32 $0x3C00, s6;
	s1 =	sshll.u32 s1, $0x4;
	s12 =	sand.u32 $0x70, s5;
	v12 =	vmul.f32 v9, v4;
	v15 =	vld [tilespmem:s7+$0x0];
	v17 =	vmul.f32 v17, v16  }
0x111: {  	s9 =	sadd.s32 $0x2080, s1;
	s1 =	sor.u32 s12, s8;
	v9 =	vld.idx.msk [tilespmem:v6+s0+$0x0], $0xffff;
	v14 =	vmul.f32 v62, v13;
	v13 =	vmul.f32 v18, v13  }
0x112: {  	s3 =	sor.u32 $0x380, s9;
	s8 =	simm.s32 $0x2;
	v6 =	vld [tilespmem:s1+$0x4400];
	[tilespmem:s30+$0x8600] =	vst v19;
	v18 =	vadd.f32 v17, v20;
	v17 =	vmul.f32 v63, v16;
	v16 =	vmul.f32 v61, v16  }
.LBB2_6:
0x113: {  	s9 =	sand.u32 $0x7, s8;
	s5 =	sadd.s32 $0x10, s5;
	v19 =	vld [tilespmem:s3+$0x4300];
	v8 =	vmul.f32 v8, v4  }
0x114: {  	s6 =	sadd.s32 $0x80, s6;
	v4 =	vmul.f32 v10, v4;
	s10 =	sshll.u32 s9, $0x4;
	s9 =	sand.u32 $0x70, s5;
	v20 =	vld [tilespmem:s1+$0x4380];
	v12 =	vadd.f32 v12, v18;
	v14 =	vadd.f32 v17, v14  }
0x115: {  	p2 =	slt.u32 s5, $0x5F0;
	v10 =	vadd.f32 v11, v2;
	v11 =	vadd.f32 v16, v13;
	s10 =	sadd.s32 s10, s6;
	vm1 =	veq.s32 v15, $0x1;
	v2 =	vld [tilespmem:s1+$0x4300]  }
0x116: {  	v18 =	vadd.f32 v7, v3;
	v13 =	vnsel vm1, $0x3F8, v5;
	v21 =	vld [tilespmem:s1+$0x4600];
	v7 =	vadd.f32 v4, v14;
	[tilespmem:s30+$0x8480] =	vst v12  }
0x117: {  	v5 =	vadd.f32 v8, v11;
	v16 =	vld [tilespmem:s1+$0x4500];
	v12 =	vadd.s32 $0x400, v13;
	v14 =	vadd.s32 $0xC00, v13;
	[tilespmem:s30+$0x8300] =	vst v10  }
0x118: {  	v9 =	vadd.f32 v9, v1;
	v10 =	vadd.s32 $0x1000, v13;
	v8 =	vadd.s32 $0x1800, v13;
	v1 =	vmovc v6;
	v17 =	vld [tilespmem:s1+$0x4480];
	[tilespmem:s30+$0x8380] =	vst v18  }
0x119: {  	s4 =	sadd.s32 $0x10, s4;
	v6 =	vadd.s32 $0x800, v13;
	v11 =	vadd.s32 $0x1C00, v13;
	v15 =	vadd.s32 $0x2000, v13;
	v4 =	vld [tilespmem:s1+$0x4580];
	[tilespmem:s30+$0x8580] =	vst v5;
	v3 =	vmovc v20  }
0x11a: {  	v5 =	vld [tilespmem:s4+$0x0];
	[tilespmem:s30+$0x8400] =	vst v9  }
0x11b: {  	v9 =	vld.idx.msk [tilespmem:v13+s0+$0x0], $0xffff  }
0x11c: {  	v18 =	vld.idx.msk [tilespmem:v12+s0+$0x0], $0xffff;
	[tilespmem:s30+$0x8500] =	vst v7;
	s30 =	smov.u32 s1  }
0x11d: {  	v20 =	vld.idx.msk [tilespmem:v8+s0+$0x0], $0xffff;
	[tilespmem:s28+$0x8300] =	vst v0;
	v0 =	vmov v19;
	s28 =	smov.u32 s3  }
0x11e: {  	v7 =	vadd.s32 $0x2800, v13;
	v6 =	vld.idx.msk [tilespmem:v6+s0+$0x0], $0xffff  }
0x11f: {  	v12 =	vadd.s32 $0x1400, v13;
	v8 =	vld.idx.msk [tilespmem:v15+s0+$0x0], $0xffff  }
0x120: {  	v19 =	vld.idx.msk [tilespmem:v11+s0+$0x0], $0xffff;
	v11 =	vadd.s32 $0x2400, v13  }
0x121: {  	v14 =	vld.idx.msk [tilespmem:v14+s0+$0x0], $0xffff  }
0x122: {  	v13 =	vadd.s32 $0x2C00, v13;
	v22 =	vld.idx.msk [tilespmem:v10+s0+$0x0], $0xffff  }
0x123: {  	v7 =	vld.idx.msk [tilespmem:v7+s0+$0x0], $0xffff  }
.Ltmp2:
0x124: {  	v10 =	vld.idx.msk [tilespmem:v12+s0+$0x0], $0xffff;
	(pc) =	sbr.rel @p2 .LBB2_6-.Ltmp2, $4  }
0x125: {  	s7 =	sadd.s32 $0x10, s7;
	v12 =	vmul.f32 v6, v4;
	v11 =	vld.idx.msk [tilespmem:v11+s0+$0x0], $0xffff  }
0x126: {  	s1 =	sand.u32 $0x3C00, s6;
	v23 =	vmul.f32 v9, v17;
	v18 =	vmul.f32 v18, v16;
	v15 =	vld [tilespmem:s7+$0x0]  }
0x127: {  	s1 =	sor.u32 s9, s1;
	v14 =	vmul.f32 v14, v17;
	v9 =	vld.idx.msk [tilespmem:v13+s0+$0x0], $0xffff;
	v13 =	vmul.f32 v20, v17  }
0x128: {  	s8 =	sadd.s32 $0x1, s8;
	s3 =	sor.u32 $0x380, s10;
	v18 =	vadd.f32 v18, v23;
	v17 =	vmul.f32 v22, v16;
	v16 =	vmul.f32 v19, v16;
	v6 =	vld [tilespmem:s1+$0x4400];
	[tilespmem:s30+$0x8600] =	vst v21  }
0x129: {  	_ =	sdelay $0x1  }
0x12a: {  	v19 =	vld [tilespmem:s1+$0x4380];
	vm1 =	veq.s32 v15, $0x1  }
0x12b: {  	v20 =	vld [tilespmem:s1+$0x4600];
	v5 =	vnsel vm1, $0x3F8, v5  }
0x12c: {  	v22 =	vld [tilespmem:s1+$0x4500];
	v21 =	vadd.s32 $0x400, v5  }
0x12d: {  	v24 =	vld [tilespmem:s1+$0x4480];
	v23 =	vadd.s32 $0x1800, v5  }
0x12e: {  	v26 =	vld [tilespmem:s1+$0x4580];
	v25 =	vadd.s32 $0x800, v5  }
0x12f: {  	v15 =	vld [tilespmem:s1+$0x4300];
	v27 =	vadd.s32 $0x2000, v5  }
0x130: {  	v28 =	vadd.s32 $0x1C00, v5;
	v29 =	vld.idx.msk [tilespmem:v5+s0+$0x0], $0xffff  }
0x131: {  	v30 =	vadd.s32 $0xC00, v5;
	v21 =	vld.idx.msk [tilespmem:v21+s0+$0x0], $0xffff  }
0x132: {  	v31 =	vadd.s32 $0x1000, v5;
	v23 =	vld.idx.msk [tilespmem:v23+s0+$0x0], $0xffff  }
0x133: {  	v3 =	vadd.f32 v7, v3;
	v12 =	vadd.f32 v12, v18;
	v59 =	vadd.s32 $0x2400, v5;
	v18 =	vld.idx.msk [tilespmem:v25+s0+$0x0], $0xffff  }
0x134: {  	v14 =	vadd.f32 v17, v14;
	v2 =	vadd.f32 v11, v2;
	v11 =	vadd.s32 $0x2800, v5;
	v17 =	vld.idx.msk [tilespmem:v27+s0+$0x0], $0xffff  }
0x135: {  	v8 =	vmul.f32 v8, v4;
	v13 =	vadd.f32 v16, v13;
	v16 =	vadd.s32 $0x1400, v5;
	v60 =	vld.idx.msk [tilespmem:v28+s0+$0x0], $0xffff  }
0x136: {  	[tilespmem:s30+$0x8380] =	vst v3;
	v5 =	vadd.s32 $0x2C00, v5;
	v7 =	vld.idx.msk [tilespmem:v30+s0+$0x0], $0xffff  }
0x137: {  	v4 =	vmul.f32 v10, v4;
	v8 =	vadd.f32 v8, v13;
	[tilespmem:s30+$0x8300] =	vst v2;
	v2 =	vld.idx.msk [tilespmem:v31+s0+$0x0], $0xffff  }
0x138: {  	[tilespmem:s30+$0x8480] =	vst v12;
	v1 =	vadd.f32 v9, v1;
	v3 =	vld.idx.msk [tilespmem:v59+s0+$0x0], $0xffff  }
0x139: {  	v4 =	vadd.f32 v4, v14;
	[tilespmem:s30+$0x8580] =	vst v8;
	v8 =	vld.idx.msk [tilespmem:v11+s0+$0x0], $0xffff  }
0x13a: {  	[tilespmem:s30+$0x8400] =	vst v1;
	v1 =	vld.idx.msk [tilespmem:v16+s0+$0x0], $0xffff  }
0x13b: {  	[tilespmem:s30+$0x8500] =	vst v4;
	v9 =	vmul.f32 v29, v24;
	v4 =	vld.idx.msk [tilespmem:v5+s0+$0x0], $0xffff;
	v10 =	vmul.f32 v21, v22  }
0x13c: {  	[tilespmem:s28+$0x8300] =	vst v0;
	v11 =	vmul.f32 v18, v26;
	v0 =	vmul.f32 v7, v24  }
0x13d: {  	v2 =	vmul.f32 v2, v22;
	v3 =	vadd.f32 v3, v15;
	v9 =	vadd.f32 v10, v9  }
0x13e: {  	v12 =	vld [tilespmem:s3+$0x4300];
	[tilespmem:s1+$0x8600] =	vst v20;
	v5 =	vmul.f32 v23, v24;
	v8 =	vadd.f32 v8, v19;
	v10 =	vmul.f32 v60, v22  }
0x13f: {  	v1 =	vmul.f32 v1, v26;
	v0 =	vadd.f32 v2, v0;
	[tilespmem:s1+$0x8300] =	vst v3;
	v7 =	vadd.f32 v11, v9  }
0x140: {  	[tilespmem:s1+$0x8380] =	vst v8;
	v9 =	vmul.f32 v17, v26;
	v5 =	vadd.f32 v10, v5;
	v3 =	vadd.f32 v4, v6  }
0x141: {  	v0 =	vadd.f32 v1, v0;
	[tilespmem:s1+$0x8480] =	vst v7  }
0x142: {  	v2 =	vadd.f32 v9, v5;
	[tilespmem:s1+$0x8400] =	vst v3  }
0x143: {  	[tilespmem:s1+$0x8500] =	vst v0  }
0x144: {  	[tilespmem:s1+$0x8580] =	vst v2  }
0x145: {  	s8 =	simm.s32 $0x0;
	s9 =	simm.s32 $0xA300;
	[tilespmem:s3+$0x8300] =	vst v12  }
0x146: {  	[hbm4b:s18+s8] =	stream.linear.scatter [tilespmem:s9], [sflag:$0x6], $0x1000, $0x38;
	[tilespmem:$0xC300] =	vst v63  }
0x147: {  	_ =	swait.ge [sflag:s29], $0x200  }
0x148: {  	[sflag:s29] =	ssyncset.done $0x0  }
0x149: {  	[sflag:s29] =	ssyncadd.s32 $0xFFFFFE00  }
0x14a: {  	_ =	swait.ge [sflag:s29], $0x200  }
0x14b: {  	[sflag:s29] =	ssyncset.done $0x0  }
0x14c: {  	[sflag:s29] =	ssyncadd.s32 $0xFFFFFE00  }
0x14d: {  	s10 =	simm.s32 $0x3000;
	_ =	swait.ge [sflag:s29], $0x1000  }
0x14e: {  	s4 =	simm.s32 $0x4100;
	s5 =	simm.s32 $0x3900;
	[sflag:s29] =	ssyncset.done $0x0  }
0x14f: {  	s6 =	simm.s32 $0x600;
	s1 =	sand.u32 $0x7, s8;
	[sflag:s29] =	ssyncadd.s32 $0xFFFFF000  }
0x150: {  	s6 =	sand.u32 $0x70, s6;
	s1 =	sshll.u32 s1, $0x4;
	s3 =	sand.u32 $0x3C00, s10;
	v2 =	vld [tilespmem:s4+$0x0]  }
0x151: {  	s1 =	sadd.s32 $0x3000, s1;
	s30 =	sor.u32 s6, s3;
	v4 =	vld [tilespmem:s5+$0x0]  }
0x152: {  	s28 =	sor.u32 $0x380, s1;
	v1 =	vld [tilespmem:s30+$0x4400]  }
0x153: {  	v0 =	vld [tilespmem:s28+$0x4300]  }
0x154: {  	v3 =	vld [tilespmem:s30+$0x4380]  }
0x155: {  	v19 =	vld [tilespmem:s30+$0x4600];
	vm1 =	veq.s32 v2, $0x1  }
0x156: {  	v16 =	vld [tilespmem:s30+$0x4500];
	v6 =	vnsel vm1, $0x3F8, v4  }
0x157: {  	v13 =	vld [tilespmem:s30+$0x4480];
	s4 =	simm.s32 $0x3910;
	v7 =	vadd.s32 $0x400, v6  }
0x158: {  	v5 =	vld [tilespmem:s4+$0x0];
	v8 =	vadd.s32 $0x1800, v6  }
0x159: {  	v2 =	vld [tilespmem:s30+$0x4300];
	v9 =	vadd.s32 $0x800, v6  }
0x15a: {  	v4 =	vld [tilespmem:s30+$0x4580];
	v10 =	vadd.s32 $0x2000, v6  }
0x15b: {  	v11 =	vadd.s32 $0x1C00, v6;
	v14 =	vld.idx.msk [tilespmem:v6+s0+$0x0], $0xffff  }
0x15c: {  	v12 =	vadd.s32 $0xC00, v6;
	v17 =	vld.idx.msk [tilespmem:v7+s0+$0x0], $0xffff  }
0x15d: {  	v20 =	vadd.s32 $0x1400, v6;
	v18 =	vld.idx.msk [tilespmem:v8+s0+$0x0], $0xffff  }
0x15e: {  	v7 =	vadd.s32 $0x1000, v6;
	v9 =	vld.idx.msk [tilespmem:v9+s0+$0x0], $0xffff  }
0x15f: {  	v15 =	vadd.s32 $0x2800, v6;
	v8 =	vld.idx.msk [tilespmem:v10+s0+$0x0], $0xffff  }
0x160: {  	v61 =	vld.idx.msk [tilespmem:v11+s0+$0x0], $0xffff;
	v11 =	vadd.s32 $0x2400, v6  }
0x161: {  	v62 =	vld.idx.msk [tilespmem:v12+s0+$0x0], $0xffff  }
0x162: {  	v6 =	vadd.s32 $0x2C00, v6;
	v10 =	vld.idx.msk [tilespmem:v20+s0+$0x0], $0xffff  }
0x163: {  	v63 =	vld.idx.msk [tilespmem:v7+s0+$0x0], $0xffff  }
0x164: {  	s11 =	simm.s32 $0x1;
	s7 =	simm.s32 $0x4110;
	v7 =	vld.idx.msk [tilespmem:v15+s0+$0x0], $0xffff  }
0x165: {  	s6 =	simm.s32 $0x3080;
	s1 =	sand.u32 $0x7, s11;
	s5 =	simm.s32 $0x610;
	v20 =	vmul.f32 v14, v13;
	v11 =	vld.idx.msk [tilespmem:v11+s0+$0x0], $0xffff  }
0x166: {  	s8 =	sand.u32 $0x3C00, s6;
	s1 =	sshll.u32 s1, $0x4;
	s12 =	sand.u32 $0x70, s5;
	v12 =	vmul.f32 v9, v4;
	v15 =	vld [tilespmem:s7+$0x0];
	v17 =	vmul.f32 v17, v16  }
0x167: {  	s9 =	sadd.s32 $0x3080, s1;
	s1 =	sor.u32 s12, s8;
	v9 =	vld.idx.msk [tilespmem:v6+s0+$0x0], $0xffff;
	v14 =	vmul.f32 v62, v13;
	v13 =	vmul.f32 v18, v13  }
0x168: {  	s3 =	sor.u32 $0x380, s9;
	s8 =	simm.s32 $0x2;
	v6 =	vld [tilespmem:s1+$0x4400];
	[tilespmem:s30+$0x8600] =	vst v19;
	v18 =	vadd.f32 v17, v20;
	v17 =	vmul.f32 v63, v16;
	v16 =	vmul.f32 v61, v16  }
.LBB2_8:
0x169: {  	s9 =	sand.u32 $0x7, s8;
	s5 =	sadd.s32 $0x10, s5;
	v19 =	vld [tilespmem:s3+$0x4300];
	v8 =	vmul.f32 v8, v4  }
0x16a: {  	s6 =	sadd.s32 $0x80, s6;
	v4 =	vmul.f32 v10, v4;
	s10 =	sshll.u32 s9, $0x4;
	s9 =	sand.u32 $0x70, s5;
	v20 =	vld [tilespmem:s1+$0x4380];
	v12 =	vadd.f32 v12, v18;
	v14 =	vadd.f32 v17, v14  }
0x16b: {  	p2 =	slt.u32 s5, $0x7F0;
	v10 =	vadd.f32 v11, v2;
	v11 =	vadd.f32 v16, v13;
	s10 =	sadd.s32 s10, s6;
	vm1 =	veq.s32 v15, $0x1;
	v2 =	vld [tilespmem:s1+$0x4300]  }
0x16c: {  	v18 =	vadd.f32 v7, v3;
	v13 =	vnsel vm1, $0x3F8, v5;
	v21 =	vld [tilespmem:s1+$0x4600];
	v7 =	vadd.f32 v4, v14;
	[tilespmem:s30+$0x8480] =	vst v12  }
0x16d: {  	v5 =	vadd.f32 v8, v11;
	v16 =	vld [tilespmem:s1+$0x4500];
	v12 =	vadd.s32 $0x400, v13;
	v14 =	vadd.s32 $0xC00, v13;
	[tilespmem:s30+$0x8300] =	vst v10  }
0x16e: {  	v9 =	vadd.f32 v9, v1;
	v10 =	vadd.s32 $0x1000, v13;
	v8 =	vadd.s32 $0x1800, v13;
	v1 =	vmovc v6;
	v17 =	vld [tilespmem:s1+$0x4480];
	[tilespmem:s30+$0x8380] =	vst v18  }
0x16f: {  	s4 =	sadd.s32 $0x10, s4;
	v6 =	vadd.s32 $0x800, v13;
	v11 =	vadd.s32 $0x1C00, v13;
	v15 =	vadd.s32 $0x2000, v13;
	v4 =	vld [tilespmem:s1+$0x4580];
	[tilespmem:s30+$0x8580] =	vst v5;
	v3 =	vmovc v20  }
0x170: {  	v5 =	vld [tilespmem:s4+$0x0];
	[tilespmem:s30+$0x8400] =	vst v9  }
0x171: {  	v9 =	vld.idx.msk [tilespmem:v13+s0+$0x0], $0xffff  }
0x172: {  	v18 =	vld.idx.msk [tilespmem:v12+s0+$0x0], $0xffff;
	[tilespmem:s30+$0x8500] =	vst v7;
	s30 =	smov.u32 s1  }
0x173: {  	v20 =	vld.idx.msk [tilespmem:v8+s0+$0x0], $0xffff;
	[tilespmem:s28+$0x8300] =	vst v0;
	v0 =	vmov v19;
	s28 =	smov.u32 s3  }
0x174: {  	v7 =	vadd.s32 $0x2800, v13;
	v6 =	vld.idx.msk [tilespmem:v6+s0+$0x0], $0xffff  }
0x175: {  	v12 =	vadd.s32 $0x1400, v13;
	v8 =	vld.idx.msk [tilespmem:v15+s0+$0x0], $0xffff  }
0x176: {  	v19 =	vld.idx.msk [tilespmem:v11+s0+$0x0], $0xffff;
	v11 =	vadd.s32 $0x2400, v13  }
0x177: {  	v14 =	vld.idx.msk [tilespmem:v14+s0+$0x0], $0xffff  }
0x178: {  	v13 =	vadd.s32 $0x2C00, v13;
	v22 =	vld.idx.msk [tilespmem:v10+s0+$0x0], $0xffff  }
0x179: {  	v7 =	vld.idx.msk [tilespmem:v7+s0+$0x0], $0xffff  }
.Ltmp3:
0x17a: {  	v10 =	vld.idx.msk [tilespmem:v12+s0+$0x0], $0xffff;
	(pc) =	sbr.rel @p2 .LBB2_8-.Ltmp3, $4  }
0x17b: {  	s7 =	sadd.s32 $0x10, s7;
	v12 =	vmul.f32 v6, v4;
	v11 =	vld.idx.msk [tilespmem:v11+s0+$0x0], $0xffff  }
0x17c: {  	s1 =	sand.u32 $0x3C00, s6;
	v23 =	vmul.f32 v9, v17;
	v18 =	vmul.f32 v18, v16;
	v15 =	vld [tilespmem:s7+$0x0]  }
0x17d: {  	s1 =	sor.u32 s9, s1;
	v14 =	vmul.f32 v14, v17;
	v9 =	vld.idx.msk [tilespmem:v13+s0+$0x0], $0xffff;
	v13 =	vmul.f32 v20, v17  }
0x17e: {  	s8 =	sadd.s32 $0x1, s8;
	s3 =	sor.u32 $0x380, s10;
	v18 =	vadd.f32 v18, v23;
	v17 =	vmul.f32 v22, v16;
	v16 =	vmul.f32 v19, v16;
	v6 =	vld [tilespmem:s1+$0x4400];
	[tilespmem:s30+$0x8600] =	vst v21  }
0x17f: {  	_ =	sdelay $0x1  }
0x180: {  	v19 =	vld [tilespmem:s1+$0x4380];
	vm1 =	veq.s32 v15, $0x1  }
0x181: {  	v39 =	vld [tilespmem:s1+$0x4300];
	v5 =	vnsel vm1, $0x3F8, v5  }
0x182: {  	v20 =	vld [tilespmem:s1+$0x4600];
	v21 =	vadd.s32 $0x400, v5  }
0x183: {  	v22 =	vld [tilespmem:s1+$0x4500];
	v23 =	vadd.s32 $0x1800, v5  }
0x184: {  	v24 =	vld [tilespmem:s1+$0x4480];
	v25 =	vadd.s32 $0x800, v5  }
0x185: {  	v26 =	vld [tilespmem:s1+$0x4580];
	v27 =	vadd.s32 $0x2000, v5  }
0x186: {  	v28 =	vadd.s32 $0x1C00, v5;
	v29 =	vld.idx.msk [tilespmem:v5+s0+$0x0], $0xffff  }
0x187: {  	v30 =	vadd.s32 $0xC00, v5;
	v21 =	vld.idx.msk [tilespmem:v21+s0+$0x0], $0xffff  }
0x188: {  	v31 =	vadd.s32 $0x1000, v5;
	v23 =	vld.idx.msk [tilespmem:v23+s0+$0x0], $0xffff  }
0x189: {  	v41 =	vadd.s32 $0x2400, v5;
	v40 =	vld.idx.msk [tilespmem:v25+s0+$0x0], $0xffff  }
0x18a: {  	v42 =	vadd.s32 $0x2800, v5;
	v43 =	vld.idx.msk [tilespmem:v27+s0+$0x0], $0xffff  }
0x18b: {  	v8 =	vmul.f32 v8, v4;
	v3 =	vadd.f32 v7, v3;
	v45 =	vld.idx.msk [tilespmem:v28+s0+$0x0], $0xffff  }
0x18c: {  	v12 =	vadd.f32 v12, v18;
	v13 =	vadd.f32 v16, v13;
	v44 =	vadd.s32 $0x1400, v5;
	v47 =	vld.idx.msk [tilespmem:v30+s0+$0x0], $0xffff  }
0x18d: {  	v46 =	vmul.f32 v10, v4;
	v2 =	vadd.f32 v11, v2;
	[tilespmem:s30+$0x8380] =	vst v3;
	v5 =	vadd.s32 $0x2C00, v5;
	v48 =	vld.idx.msk [tilespmem:v31+s0+$0x0], $0xffff  }
0x18e: {  	v14 =	vadd.f32 v17, v14;
	[tilespmem:s30+$0x8480] =	vst v12;
	v8 =	vadd.f32 v8, v13;
	v49 =	vld.idx.msk [tilespmem:v41+s0+$0x0], $0xffff  }
0x18f: {  	[tilespmem:s30+$0x8300] =	vst v2;
	v1 =	vadd.f32 v9, v1;
	v52 =	vld.idx.msk [tilespmem:v42+s0+$0x0], $0xffff  }
0x190: {  	v4 =	vadd.f32 v46, v14;
	[tilespmem:s30+$0x8580] =	vst v8;
	v50 =	vmul.f32 v29, v24;
	v51 =	vmul.f32 v21, v22  }
0x191: {  	[tilespmem:s30+$0x8400] =	vst v1;
	v53 =	vld.idx.msk [tilespmem:v44+s0+$0x0], $0xffff;
	v54 =	vmul.f32 v40, v26;
	v56 =	vmul.f32 v23, v24  }
0x192: {  	[tilespmem:s30+$0x8500] =	vst v4;
	v55 =	vld.idx.msk [tilespmem:v5+s0+$0x0], $0xffff;
	v57 =	vmul.f32 v45, v22;
	v59 =	vmul.f32 v47, v24  }
0x193: {  	[tilespmem:s28+$0x8300] =	vst v0;
	v2 =	vmul.f32 v48, v22;
	v3 =	vadd.f32 v49, v39;
	v9 =	vadd.f32 v51, v50  }
0x194: {  	v58 =	vld [tilespmem:s3+$0x4300];
	[tilespmem:s1+$0x8600] =	vst v20;
	v61 =	vmul.f32 v43, v26;
	v8 =	vadd.f32 v52, v19;
	v5 =	vadd.f32 v57, v56  }
0x195: {  	[tilespmem:s1+$0x8300] =	vst v3;
	v60 =	vadd.f32 v54, v9  }
0x196: {  	v1 =	vmul.f32 v53, v26;
	v0 =	vadd.f32 v2, v59;
	[tilespmem:s1+$0x8380] =	vst v8;
	v62 =	vadd.f32 v61, v5  }
0x197: {  	v63 =	vadd.f32 v55, v6;
	[tilespmem:s1+$0x8480] =	vst v60  }
0x198: {  	v0 =	vadd.f32 v1, v0;
	[tilespmem:s1+$0x8580] =	vst v62  }
0x199: {  	[tilespmem:s1+$0x8400] =	vst v63  }
0x19a: {  	[tilespmem:s1+$0x8500] =	vst v0  }
0x19b: {  	s30 =	simm.s32 $0xB300;
	[tilespmem:s3+$0x8300] =	vst v58  }
0x19c: {  	[hbm4b:s19+s2] =	stream.linear.scatter [tilespmem:s30], [sflag:$0x7], $0x1000, $0x38;
	[tilespmem:$0xC300] =	vst v63  }
0x19d: {  	_ =	swait.ge [sflag:s31], $0x1000  }
0x19e: {  	[sflag:s31] =	ssyncset.done $0x0  }
0x19f: {  	[sflag:s31] =	ssyncadd.s32 $0xFFFFF000  }
0x1a0: {  	_ =	swait.ge [sflag:s23], $0x1000  }
0x1a1: {  	[sflag:s23] =	ssyncset.done $0x0  }
0x1a2: {  	s25 =	sadd.s32 $0x1, s25;
	[sflag:s23] =	ssyncadd.s32 $0xFFFFF000  }
0x1a3: {  	p2 =	sne.s32 s25, s20;
	_ =	swait.ge [sflag:s23], $0x1000  }
.Ltmp4:
0x1a4: {  	[sflag:s23] =	ssyncset.done $0x0;
	(pc) =	sbr.rel @p2 .LBB2_1-.Ltmp4, $4  }
0x1a5: {  	[sflag:s23] =	ssyncadd.s32 $0xFFFFF000  }
0x1a6: {  	_ =	swait.ge [sflag:s23], $0x1000  }
0x1a7: {  	[sflag:s23] =	ssyncset.done $0x0  }
0x1a8: {  	[sflag:s23] =	ssyncadd.s32 $0xFFFFF000  }
0x1a9: {  	_ =	sfence.sel $0x180000  }
0x1aa: {  	[bflag:$0x0] =	sbarrier.arrive $0xFFFF  }
0x1ab: {  	_ =	strace $0x90000047  }
0x1ac: {  	[bflag:$0x2] =	sbarrier.arrive $0xFFFF  }
0x1ad: {  	s0 =	rddreg [dreg:$0x6]  }
0x1ae: {  	s0 =	sadd.s32 @!p0 $0x100000, s0  }
0x1af: {  	[sflag:s0] =	ssyncadd.tile.s32 @!p0 $0x1;
	_ =	shalt  }
.Lfunc_end2:
_tile_overlayer_lowered:
.L_overlay_start_2:
0x1b0: {  	(tag) =	ssettag $0x2  }
0x1b1: {  	s0 =	rddreg [dreg:$0x0];
	s2 =	stileid.u32  }
0x1b2: {  	s1 =	rddreg [dreg:$0x1];
	p0 =	sne.s32 s2, $0x0  }
0x1b3: {  	s3 =	rddreg [dreg:$0x2];
	[bflag:$0x3] =	sbarrier.arrive $0xFFFF;
	s2 =	simm.s32 @!p0 $0x1C07  }
0x1b4: {  	[timem:s3], [sflag:s2] =	dma.local @!p0 [hbm:s0], s1  }
0x1b5: {  	s0 =	simm.s32 @!p0 $0x7  }
0x1b6: {  	_ =	swait.ge @!p0 [sflag:s0], s1  }
0x1b7: {  	s1 =	ssub.s32 @!p0 $0x0, s1;
	[sflag:s0] =	ssyncset.done @!p0 $0x0  }
0x1b8: {  	[sflag:s0] =	ssyncadd.s32 @!p0 s1  }
0x1b9: {  	[bflag:$0x3] =	sbarrier.arrive $0xFFFF  }
0x1ba: {  	_ =	shalt  }

</sc_bundles>
